<compile_context>
chip_gen: v7x
topology: tpu7x:2x2x1
jax: 0.10.2.dev20260603
libtpu: 0.0.44.dev20260713+nightly
codegen_flags: <defaults>
</compile_context>

<pallas_src>
import functools

import jax
import jax.numpy as jnp
from jax import lax
from jax.experimental import pallas as pl
from jax.experimental.pallas import tpu as pltpu
from jax.experimental.pallas import tpu_sc as plsc

_CCHUNK = 4096


def kernel(labels, table):
    B, = labels.shape
    V, D = table.shape

    info = plsc.get_sparse_core_info()
    NC, NS = info.num_cores, info.num_subcores
    NW = NC * NS
    n_rounds = D // NW

    tableT = table.T
    mesh = plsc.VectorSubcoreMesh(core_axis_name="c", subcore_axis_name="s")

    @functools.partial(
        pl.kernel,
        out_type=jax.ShapeDtypeStruct((D, B), jnp.float32),
        mesh=mesh,
        scratch_types=[
            pltpu.VMEM((V,), jnp.float32),
            pltpu.VMEM((B,), jnp.int32),
            pltpu.VMEM((2, _CCHUNK), jnp.float32),
            pltpu.SemaphoreType.DMA,
            pltpu.SemaphoreType.DMA,
            pltpu.SemaphoreType.DMA,
        ],
        compiler_params=pltpu.CompilerParams(
            use_tc_tiling_on_sc=True, needs_layout_passes=False),
    )
    def emb(labels_hbm, tableT_hbm, outT_hbm, slab_v, lab_v, col_v,
            slab_sem, sem0, sem1):
        wid = lax.axis_index("s") * NC + lax.axis_index("c")
        out_sems = (sem0, sem1)
        slab_cp = pltpu.async_copy(tableT_hbm.at[wid], slab_v, slab_sem)
        pltpu.sync_copy(labels_hbm, lab_v)
        writes = [None, None]
        for r in range(n_rounds):
            d = wid + r * NW
            slab_cp.wait()
            for h in range(B // _CCHUNK):
                buf = h % 2
                if writes[buf] is not None:
                    writes[buf].wait()

                @plsc.parallel_loop(0, _CCHUNK, step=16, unroll=8)
                def body(k):
                    idx = lab_v[pl.ds(h * _CCHUNK + k, 16)]
                    col_v[buf, pl.ds(k, 16)] = plsc.load_gather(slab_v, [idx])

                writes[buf] = pltpu.async_copy(
                    col_v.at[buf],
                    outT_hbm.at[d, pl.ds(h * _CCHUNK, _CCHUNK)],
                    out_sems[buf])
            for buf in range(2):
                writes[buf].wait()
                writes[buf] = None
            if r + 1 < n_rounds:
                slab_cp = pltpu.async_copy(
                    tableT_hbm.at[wid + (r + 1) * NW], slab_v, slab_sem)

    return emb(labels, tableT).T

# --- scband reference (transcript-rebuilt; emitter-appended) ---
"""Pipeline reference for scband-label-embedder-27041114095687 (READ-ONLY COPY).

The authoritative reference and input builder live on the scoring server;
editing this copy changes nothing except your own understanding.
"""

import jax, jax.numpy as jnp
import numpy as np

NUM_CLASSES = 100000
HIDDEN_SIZE = 64
BATCH = 16384

def setup_inputs(seed: int = 0) -> dict:
    key = jax.random.key(seed)
    k_lbl, k_tab = jax.random.split(key)
    labels = jax.random.randint(k_lbl, (BATCH,), 0, NUM_CLASSES, dtype=jnp.int64 if jax.config.jax_enable_x64 else jnp.int32)
    # embedding table: (num_classes + 1, hidden_size), init normal std=0.02
    table = jax.random.normal(k_tab, (NUM_CLASSES + 1, HIDDEN_SIZE), dtype=jnp.float32) * 0.02
    return {"labels": labels, "table": table}

def reference(labels, table):
    # nn.Embedding lookup: table[labels]
    embeddings = jnp.take(table, labels, axis=0)
    return embeddings

if __name__ == "__main__":
    import jax
    _d = setup_inputs()
    print(jax.jit(kernel)(*tuple(_d.values())))

</pallas_src>

<mosaic_0001>
#map = affine_map<(d0, d1) -> (0)>
#map1 = affine_map<(d0, d1) -> (0, 0)>
module attributes {stable_mosaic.version = 14 : i64} {
  func.func @emb(%arg0: i32, %arg1: i32, %arg2: memref<16384xi32, #tpu.memory_space<hbm>>, %arg3: memref<64x100001xf32, #tpu.memory_space<hbm>>, %arg4: memref<64x16384xf32, #tpu.memory_space<hbm>>, %arg5: memref<100001xf32, #tpu.memory_space<vmem>>, %arg6: memref<16384xi32, #tpu.memory_space<vmem>>, %arg7: memref<2x4096xf32, #tpu.memory_space<vmem>>, %arg8: memref<!tpu.dma_semaphore, #tpu.memory_space<semaphore_mem>>, %arg9: memref<!tpu.dma_semaphore, #tpu.memory_space<semaphore_mem>>, %arg10: memref<!tpu.dma_semaphore, #tpu.memory_space<semaphore_mem>>) attributes {dimension_semantics = [#tpu.dimension_semantics<core_parallel>, #tpu.dimension_semantics<subcore_parallel>], iteration_bounds = array<i64: 2, 16>, scalar_prefetch = 0 : i64, scratch_operands = 6 : i64, tpu.core_type = #tpu.core_type<sc_vector_subcore>, window_params = [{transform_indices = #map}, {transform_indices = #map1}, {transform_indices = #map1}]} {
    %mul3A = arith.constant 2 : i32
    %mul3A_0 = arith.muli %arg1, %mul3A : i32
    %add3A = arith.addi %mul3A_0, %arg0 : i32
    %dma_start3A = arith.constant 0 : i32
    %dma_start3A_1 = tpu.memref_slice %arg3[%add3A, %dma_start3A] : memref<64x100001xf32, #tpu.memory_space<hbm>> -> memref<1x100001xf32, #tpu.memory_space<hbm>>
    %dma_start3A_2 = tpu.memref_squeeze %dma_start3A_1 : memref<1x100001xf32, #tpu.memory_space<hbm>> -> memref<100001xf32, #tpu.memory_space<hbm>>
    %dma_start3A_3 = arith.constant 0 : i32
    %dma_start3A_4 = tpu.memref_slice %arg3[%add3A, %dma_start3A_3] : memref<64x100001xf32, #tpu.memory_space<hbm>> -> memref<1x100001xf32, #tpu.memory_space<hbm>>
    %dma_start3A_5 = tpu.memref_squeeze %dma_start3A_4 : memref<1x100001xf32, #tpu.memory_space<hbm>> -> memref<100001xf32, #tpu.memory_space<hbm>>
    tpu.enqueue_dma source(%dma_start3A_5 : memref<100001xf32, #tpu.memory_space<hbm>>) target(%arg5 : memref<100001xf32, #tpu.memory_space<vmem>>) target_semaphore(%arg8 : memref<!tpu.dma_semaphore, #tpu.memory_space<semaphore_mem>>)
    "tpu.region"() ({
      %run_scoped3A = tpu.sem_alloc : memref<!tpu.dma_semaphore, #tpu.memory_space<semaphore_mem>>
      tpu.enqueue_dma source(%arg2 : memref<16384xi32, #tpu.memory_space<hbm>>) target(%arg6 : memref<16384xi32, #tpu.memory_space<vmem>>) target_semaphore(%run_scoped3A : memref<!tpu.dma_semaphore, #tpu.memory_space<semaphore_mem>>)
      tpu.wait_dma2 semaphore(%run_scoped3A : memref<!tpu.dma_semaphore, #tpu.memory_space<semaphore_mem>>) src(%arg2 : memref<16384xi32, #tpu.memory_space<hbm>>) dst(%arg6 : memref<16384xi32, #tpu.memory_space<vmem>>)
      tpu.yield
    }) : () -> ()
    %add3A_6 = arith.constant 0 : i32
    %add3A_7 = arith.addi %add3A, %add3A_6 : i32
    %dma_wait3A = arith.constant 0 : i32
    %dma_wait3A_8 = tpu.memref_slice %arg3[%add3A, %dma_wait3A] : memref<64x100001xf32, #tpu.memory_space<hbm>> -> memref<1x100001xf32, #tpu.memory_space<hbm>>
    %dma_wait3A_9 = tpu.memref_squeeze %dma_wait3A_8 : memref<1x100001xf32, #tpu.memory_space<hbm>> -> memref<100001xf32, #tpu.memory_space<hbm>>
    %dma_wait3A_10 = arith.constant 0 : i32
    %dma_wait3A_11 = tpu.memref_slice %arg3[%add3A, %dma_wait3A_10] : memref<64x100001xf32, #tpu.memory_space<hbm>> -> memref<1x100001xf32, #tpu.memory_space<hbm>>
    %dma_wait3A_12 = tpu.memref_squeeze %dma_wait3A_11 : memref<1x100001xf32, #tpu.memory_space<hbm>> -> memref<100001xf32, #tpu.memory_space<hbm>>
    tpu.wait_dma2 semaphore(%arg8 : memref<!tpu.dma_semaphore, #tpu.memory_space<semaphore_mem>>) src(%dma_wait3A_12 : memref<100001xf32, #tpu.memory_space<hbm>>) dst(%arg5 : memref<100001xf32, #tpu.memory_space<vmem>>)
    %parallel_loop3A = arith.constant 0 : i32
    %parallel_loop3A_13 = arith.constant 4096 : i32
    %parallel_loop3A_14 = arith.constant 16 : i32
    scf.for %parallel_loop3A_260 = %parallel_loop3A to %parallel_loop3A_13 step %parallel_loop3A_14  : i32 {
      %parallel_loop3A_261 = arith.constant 0 : i32
      %parallel_loop3A_262 = arith.addi %parallel_loop3A_261, %parallel_loop3A_260 : i32
      %parallel_loop3A_263 = arith.index_cast %parallel_loop3A_262 : i32 to index
      %parallel_loop3A_264 = tpu.vector_load %arg6[%parallel_loop3A_263] {strides = array<i32>} : memref<16384xi32, #tpu.memory_space<vmem>>, vector<16xi32>,
      %parallel_loop3A_265 = tpu.vector_load_idx %arg5[%parallel_loop3A_264] : memref<100001xf32, #tpu.memory_space<vmem>>[vector<16xi32>], vector<16xf32>,
      %parallel_loop3A_266 = arith.constant 0 : i32
      %parallel_loop3A_267 = arith.index_cast %parallel_loop3A_266 : i32 to index
      %parallel_loop3A_268 = arith.index_cast %parallel_loop3A_260 : i32 to index
      %parallel_loop3A_269 = tpu.vector_load %arg7[%parallel_loop3A_267, %parallel_loop3A_268] {strides = array<i32>} : memref<2x4096xf32, #tpu.memory_space<vmem>>, vector<16xf32>,
      tpu.vector_store %arg7[%parallel_loop3A_267, %parallel_loop3A_268], %parallel_loop3A_265 {strides = array<i32>} : memref<2x4096xf32, #tpu.memory_space<vmem>>, vector<16xf32>,
    } {sc.loop_unroll_factor = 8 : i64, sc.parallel_access}
    %dma_start3A_15 = arith.constant 0 : i32
    %dma_start3A_16 = arith.constant 0 : i32
    %dma_start3A_17 = tpu.memref_slice %arg7[%dma_start3A_15, %dma_start3A_16] : memref<2x4096xf32, #tpu.memory_space<vmem>> -> memref<1x4096xf32, #tpu.memory_space<vmem>>
    %dma_start3A_18 = tpu.memref_squeeze %dma_start3A_17 : memref<1x4096xf32, #tpu.memory_space<vmem>> -> memref<4096xf32, #tpu.memory_space<vmem>>
    %dma_start3A_19 = arith.constant 0 : i32
    %dma_start3A_20 = tpu.memref_slice %arg4[%add3A_7, %dma_start3A_19] : memref<64x16384xf32, #tpu.memory_space<hbm>> -> memref<1x4096xf32, #tpu.memory_space<hbm>>
    %dma_start3A_21 = tpu.memref_squeeze %dma_start3A_20 : memref<1x4096xf32, #tpu.memory_space<hbm>> -> memref<4096xf32, #tpu.memory_space<hbm>>
    %dma_start3A_22 = arith.constant 0 : i32
    %dma_start3A_23 = tpu.memref_slice %arg4[%add3A_7, %dma_start3A_22] : memref<64x16384xf32, #tpu.memory_space<hbm>> -> memref<1x4096xf32, #tpu.memory_space<hbm>>
    %dma_start3A_24 = tpu.memref_squeeze %dma_start3A_23 : memref<1x4096xf32, #tpu.memory_space<hbm>> -> memref<4096xf32, #tpu.memory_space<hbm>>
    %dma_start3A_25 = arith.constant 0 : i32
    %dma_start3A_26 = tpu.memref_slice %arg7[%dma_start3A_15, %dma_start3A_25] : memref<2x4096xf32, #tpu.memory_space<vmem>> -> memref<1x4096xf32, #tpu.memory_space<vmem>>
    %dma_start3A_27 = tpu.memref_squeeze %dma_start3A_26 : memref<1x4096xf32, #tpu.memory_space<vmem>> -> memref<4096xf32, #tpu.memory_space<vmem>>
    tpu.enqueue_dma source(%dma_start3A_27 : memref<4096xf32, #tpu.memory_space<vmem>>) target(%dma_start3A_24 : memref<4096xf32, #tpu.memory_space<hbm>>) target_semaphore(%arg9 : memref<!tpu.dma_semaphore, #tpu.memory_space<semaphore_mem>>)
    %parallel_loop3A_28 = arith.constant 0 : i32
    %parallel_loop3A_29 = arith.constant 4096 : i32
    %parallel_loop3A_30 = arith.constant 16 : i32
    scf.for %parallel_loop3A_260 = %parallel_loop3A_28 to %parallel_loop3A_29 step %parallel_loop3A_30  : i32 {
      %parallel_loop3A_261 = arith.constant 4096 : i32
      %parallel_loop3A_262 = arith.addi %parallel_loop3A_261, %parallel_loop3A_260 : i32
      %parallel_loop3A_263 = arith.index_cast %parallel_loop3A_262 : i32 to index
      %parallel_loop3A_264 = tpu.vector_load %arg6[%parallel_loop3A_263] {strides = array<i32>} : memref<16384xi32, #tpu.memory_space<vmem>>, vector<16xi32>,
      %parallel_loop3A_265 = tpu.vector_load_idx %arg5[%parallel_loop3A_264] : memref<100001xf32, #tpu.memory_space<vmem>>[vector<16xi32>], vector<16xf32>,
      %parallel_loop3A_266 = arith.constant 1 : i32
      %parallel_loop3A_267 = arith.index_cast %parallel_loop3A_266 : i32 to index
      %parallel_loop3A_268 = arith.index_cast %parallel_loop3A_260 : i32 to index
      %parallel_loop3A_269 = tpu.vector_load %arg7[%parallel_loop3A_267, %parallel_loop3A_268] {strides = array<i32>} : memref<2x4096xf32, #tpu.memory_space<vmem>>, vector<16xf32>,
      tpu.vector_store %arg7[%parallel_loop3A_267, %parallel_loop3A_268], %parallel_loop3A_265 {strides = array<i32>} : memref<2x4096xf32, #tpu.memory_space<vmem>>, vector<16xf32>,
    } {sc.loop_unroll_factor = 8 : i64, sc.parallel_access}
    %dma_start3A_31 = arith.constant 1 : i32
    %dma_start3A_32 = arith.constant 0 : i32
    %dma_start3A_33 = tpu.memref_slice %arg7[%dma_start3A_31, %dma_start3A_32] : memref<2x4096xf32, #tpu.memory_space<vmem>> -> memref<1x4096xf32, #tpu.memory_space<vmem>>
    %dma_start3A_34 = tpu.memref_squeeze %dma_start3A_33 : memref<1x4096xf32, #tpu.memory_space<vmem>> -> memref<4096xf32, #tpu.memory_space<vmem>>
    %dma_start3A_35 = arith.constant 4096 : i32
    %dma_start3A_36 = tpu.memref_slice %arg4[%add3A_7, %dma_start3A_35] : memref<64x16384xf32, #tpu.memory_space<hbm>> -> memref<1x4096xf32, #tpu.memory_space<hbm>>
    %dma_start3A_37 = tpu.memref_squeeze %dma_start3A_36 : memref<1x4096xf32, #tpu.memory_space<hbm>> -> memref<4096xf32, #tpu.memory_space<hbm>>
    %dma_start3A_38 = arith.constant 4096 : i32
    %dma_start3A_39 = tpu.memref_slice %arg4[%add3A_7, %dma_start3A_38] : memref<64x16384xf32, #tpu.memory_space<hbm>> -> memref<1x4096xf32, #tpu.memory_space<hbm>>
    %dma_start3A_40 = tpu.memref_squeeze %dma_start3A_39 : memref<1x4096xf32, #tpu.memory_space<hbm>> -> memref<4096xf32, #tpu.memory_space<hbm>>
    %dma_start3A_41 = arith.constant 0 : i32
    %dma_start3A_42 = tpu.memref_slice %arg7[%dma_start3A_31, %dma_start3A_41] : memref<2x4096xf32, #tpu.memory_space<vmem>> -> memref<1x4096xf32, #tpu.memory_space<vmem>>
    %dma_start3A_43 = tpu.memref_squeeze %dma_start3A_42 : memref<1x4096xf32, #tpu.memory_space<vmem>> -> memref<4096xf32, #tpu.memory_space<vmem>>
    tpu.enqueue_dma source(%dma_start3A_43 : memref<4096xf32, #tpu.memory_space<vmem>>) target(%dma_start3A_40 : memref<4096xf32, #tpu.memory_space<hbm>>) target_semaphore(%arg10 : memref<!tpu.dma_semaphore, #tpu.memory_space<semaphore_mem>>)
    %dma_wait3A_44 = arith.constant 0 : i32
    %dma_wait3A_45 = arith.constant 0 : i32
    %dma_wait3A_46 = tpu.memref_slice %arg7[%dma_wait3A_44, %dma_wait3A_45] : memref<2x4096xf32, #tpu.memory_space<vmem>> -> memref<1x4096xf32, #tpu.memory_space<vmem>>
    %dma_wait3A_47 = tpu.memref_squeeze %dma_wait3A_46 : memref<1x4096xf32, #tpu.memory_space<vmem>> -> memref<4096xf32, #tpu.memory_space<vmem>>
    %dma_wait3A_48 = arith.constant 0 : i32
    %dma_wait3A_49 = tpu.memref_slice %arg4[%add3A_7, %dma_wait3A_48] : memref<64x16384xf32, #tpu.memory_space<hbm>> -> memref<1x4096xf32, #tpu.memory_space<hbm>>
    %dma_wait3A_50 = tpu.memref_squeeze %dma_wait3A_49 : memref<1x4096xf32, #tpu.memory_space<hbm>> -> memref<4096xf32, #tpu.memory_space<hbm>>
    %dma_wait3A_51 = arith.constant 0 : i32
    %dma_wait3A_52 = tpu.memref_slice %arg4[%add3A_7, %dma_wait3A_51] : memref<64x16384xf32, #tpu.memory_space<hbm>> -> memref<1x4096xf32, #tpu.memory_space<hbm>>
    %dma_wait3A_53 = tpu.memref_squeeze %dma_wait3A_52 : memref<1x4096xf32, #tpu.memory_space<hbm>> -> memref<4096xf32, #tpu.memory_space<hbm>>
    %dma_wait3A_54 = arith.constant 0 : i32
    %dma_wait3A_55 = tpu.memref_slice %arg7[%dma_wait3A_44, %dma_wait3A_54] : memref<2x4096xf32, #tpu.memory_space<vmem>> -> memref<1x4096xf32, #tpu.memory_space<vmem>>
    %dma_wait3A_56 = tpu.memref_squeeze %dma_wait3A_55 : memref<1x4096xf32, #tpu.memory_space<vmem>> -> memref<4096xf32, #tpu.memory_space<vmem>>
    tpu.wait_dma2 semaphore(%arg9 : memref<!tpu.dma_semaphore, #tpu.memory_space<semaphore_mem>>) src(%dma_wait3A_56 : memref<4096xf32, #tpu.memory_space<vmem>>) dst(%dma_wait3A_53 : memref<4096xf32, #tpu.memory_space<hbm>>)
    %parallel_loop3A_57 = arith.constant 0 : i32
    %parallel_loop3A_58 = arith.constant 4096 : i32
    %parallel_loop3A_59 = arith.constant 16 : i32
    scf.for %parallel_loop3A_260 = %parallel_loop3A_57 to %parallel_loop3A_58 step %parallel_loop3A_59  : i32 {
      %parallel_loop3A_261 = arith.constant 8192 : i32
      %parallel_loop3A_262 = arith.addi %parallel_loop3A_261, %parallel_loop3A_260 : i32
      %parallel_loop3A_263 = arith.index_cast %parallel_loop3A_262 : i32 to index
      %parallel_loop3A_264 = tpu.vector_load %arg6[%parallel_loop3A_263] {strides = array<i32>} : memref<16384xi32, #tpu.memory_space<vmem>>, vector<16xi32>,
      %parallel_loop3A_265 = tpu.vector_load_idx %arg5[%parallel_loop3A_264] : memref<100001xf32, #tpu.memory_space<vmem>>[vector<16xi32>], vector<16xf32>,
      %parallel_loop3A_266 = arith.constant 0 : i32
      %parallel_loop3A_267 = arith.index_cast %parallel_loop3A_266 : i32 to index
      %parallel_loop3A_268 = arith.index_cast %parallel_loop3A_260 : i32 to index
      %parallel_loop3A_269 = tpu.vector_load %arg7[%parallel_loop3A_267, %parallel_loop3A_268] {strides = array<i32>} : memref<2x4096xf32, #tpu.memory_space<vmem>>, vector<16xf32>,
      tpu.vector_store %arg7[%parallel_loop3A_267, %parallel_loop3A_268], %parallel_loop3A_265 {strides = array<i32>} : memref<2x4096xf32, #tpu.memory_space<vmem>>, vector<16xf32>,
    } {sc.loop_unroll_factor = 8 : i64, sc.parallel_access}
    %dma_start3A_60 = arith.constant 0 : i32
    %dma_start3A_61 = arith.constant 0 : i32
    %dma_start3A_62 = tpu.memref_slice %arg7[%dma_start3A_60, %dma_start3A_61] : memref<2x4096xf32, #tpu.memory_space<vmem>> -> memref<1x4096xf32, #tpu.memory_space<vmem>>
    %dma_start3A_63 = tpu.memref_squeeze %dma_start3A_62 : memref<1x4096xf32, #tpu.memory_space<vmem>> -> memref<4096xf32, #tpu.memory_space<vmem>>
    %dma_start3A_64 = arith.constant 8192 : i32
    %dma_start3A_65 = tpu.memref_slice %arg4[%add3A_7, %dma_start3A_64] : memref<64x16384xf32, #tpu.memory_space<hbm>> -> memref<1x4096xf32, #tpu.memory_space<hbm>>
    %dma_start3A_66 = tpu.memref_squeeze %dma_start3A_65 : memref<1x4096xf32, #tpu.memory_space<hbm>> -> memref<4096xf32, #tpu.memory_space<hbm>>
    %dma_start3A_67 = arith.constant 8192 : i32
    %dma_start3A_68 = tpu.memref_slice %arg4[%add3A_7, %dma_start3A_67] : memref<64x16384xf32, #tpu.memory_space<hbm>> -> memref<1x4096xf32, #tpu.memory_space<hbm>>
    %dma_start3A_69 = tpu.memref_squeeze %dma_start3A_68 : memref<1x4096xf32, #tpu.memory_space<hbm>> -> memref<4096xf32, #tpu.memory_space<hbm>>
    %dma_start3A_70 = arith.constant 0 : i32
    %dma_start3A_71 = tpu.memref_slice %arg7[%dma_start3A_60, %dma_start3A_70] : memref<2x4096xf32, #tpu.memory_space<vmem>> -> memref<1x4096xf32, #tpu.memory_space<vmem>>
    %dma_start3A_72 = tpu.memref_squeeze %dma_start3A_71 : memref<1x4096xf32, #tpu.memory_space<vmem>> -> memref<4096xf32, #tpu.memory_space<vmem>>
    tpu.enqueue_dma source(%dma_start3A_72 : memref<4096xf32, #tpu.memory_space<vmem>>) target(%dma_start3A_69 : memref<4096xf32, #tpu.memory_space<hbm>>) target_semaphore(%arg9 : memref<!tpu.dma_semaphore, #tpu.memory_space<semaphore_mem>>)
    %dma_wait3A_73 = arith.constant 1 : i32
    %dma_wait3A_74 = arith.constant 0 : i32
    %dma_wait3A_75 = tpu.memref_slice %arg7[%dma_wait3A_73, %dma_wait3A_74] : memref<2x4096xf32, #tpu.memory_space<vmem>> -> memref<1x4096xf32, #tpu.memory_space<vmem>>
    %dma_wait3A_76 = tpu.memref_squeeze %dma_wait3A_75 : memref<1x4096xf32, #tpu.memory_space<vmem>> -> memref<4096xf32, #tpu.memory_space<vmem>>
    %dma_wait3A_77 = arith.constant 4096 : i32
    %dma_wait3A_78 = tpu.memref_slice %arg4[%add3A_7, %dma_wait3A_77] : memref<64x16384xf32, #tpu.memory_space<hbm>> -> memref<1x4096xf32, #tpu.memory_space<hbm>>
    %dma_wait3A_79 = tpu.memref_squeeze %dma_wait3A_78 : memref<1x4096xf32, #tpu.memory_space<hbm>> -> memref<4096xf32, #tpu.memory_space<hbm>>
    %dma_wait3A_80 = arith.constant 4096 : i32
    %dma_wait3A_81 = tpu.memref_slice %arg4[%add3A_7, %dma_wait3A_80] : memref<64x16384xf32, #tpu.memory_space<hbm>> -> memref<1x4096xf32, #tpu.memory_space<hbm>>
    %dma_wait3A_82 = tpu.memref_squeeze %dma_wait3A_81 : memref<1x4096xf32, #tpu.memory_space<hbm>> -> memref<4096xf32, #tpu.memory_space<hbm>>
    %dma_wait3A_83 = arith.constant 0 : i32
    %dma_wait3A_84 = tpu.memref_slice %arg7[%dma_wait3A_73, %dma_wait3A_83] : memref<2x4096xf32, #tpu.memory_space<vmem>> -> memref<1x4096xf32, #tpu.memory_space<vmem>>
    %dma_wait3A_85 = tpu.memref_squeeze %dma_wait3A_84 : memref<1x4096xf32, #tpu.memory_space<vmem>> -> memref<4096xf32, #tpu.memory_space<vmem>>
    tpu.wait_dma2 semaphore(%arg10 : memref<!tpu.dma_semaphore, #tpu.memory_space<semaphore_mem>>) src(%dma_wait3A_85 : memref<4096xf32, #tpu.memory_space<vmem>>) dst(%dma_wait3A_82 : memref<4096xf32, #tpu.memory_space<hbm>>)
    %parallel_loop3A_86 = arith.constant 0 : i32
    %parallel_loop3A_87 = arith.constant 4096 : i32
    %parallel_loop3A_88 = arith.constant 16 : i32
    scf.for %parallel_loop3A_260 = %parallel_loop3A_86 to %parallel_loop3A_87 step %parallel_loop3A_88  : i32 {
      %parallel_loop3A_261 = arith.constant 12288 : i32
      %parallel_loop3A_262 = arith.addi %parallel_loop3A_261, %parallel_loop3A_260 : i32
      %parallel_loop3A_263 = arith.index_cast %parallel_loop3A_262 : i32 to index
      %parallel_loop3A_264 = tpu.vector_load %arg6[%parallel_loop3A_263] {strides = array<i32>} : memref<16384xi32, #tpu.memory_space<vmem>>, vector<16xi32>,
      %parallel_loop3A_265 = tpu.vector_load_idx %arg5[%parallel_loop3A_264] : memref<100001xf32, #tpu.memory_space<vmem>>[vector<16xi32>], vector<16xf32>,
      %parallel_loop3A_266 = arith.constant 1 : i32
      %parallel_loop3A_267 = arith.index_cast %parallel_loop3A_266 : i32 to index
      %parallel_loop3A_268 = arith.index_cast %parallel_loop3A_260 : i32 to index
      %parallel_loop3A_269 = tpu.vector_load %arg7[%parallel_loop3A_267, %parallel_loop3A_268] {strides = array<i32>} : memref<2x4096xf32, #tpu.memory_space<vmem>>, vector<16xf32>,
      tpu.vector_store %arg7[%parallel_loop3A_267, %parallel_loop3A_268], %parallel_loop3A_265 {strides = array<i32>} : memref<2x4096xf32, #tpu.memory_space<vmem>>, vector<16xf32>,
    } {sc.loop_unroll_factor = 8 : i64, sc.parallel_access}
    %dma_start3A_89 = arith.constant 1 : i32
    %dma_start3A_90 = arith.constant 0 : i32
    %dma_start3A_91 = tpu.memref_slice %arg7[%dma_start3A_89, %dma_start3A_90] : memref<2x4096xf32, #tpu.memory_space<vmem>> -> memref<1x4096xf32, #tpu.memory_space<vmem>>
    %dma_start3A_92 = tpu.memref_squeeze %dma_start3A_91 : memref<1x4096xf32, #tpu.memory_space<vmem>> -> memref<4096xf32, #tpu.memory_space<vmem>>
    %dma_start3A_93 = arith.constant 12288 : i32
    %dma_start3A_94 = tpu.memref_slice %arg4[%add3A_7, %dma_start3A_93] : memref<64x16384xf32, #tpu.memory_space<hbm>> -> memref<1x4096xf32, #tpu.memory_space<hbm>>
    %dma_start3A_95 = tpu.memref_squeeze %dma_start3A_94 : memref<1x4096xf32, #tpu.memory_space<hbm>> -> memref<4096xf32, #tpu.memory_space<hbm>>
    %dma_start3A_96 = arith.constant 12288 : i32
    %dma_start3A_97 = tpu.memref_slice %arg4[%add3A_7, %dma_start3A_96] : memref<64x16384xf32, #tpu.memory_space<hbm>> -> memref<1x4096xf32, #tpu.memory_space<hbm>>
    %dma_start3A_98 = tpu.memref_squeeze %dma_start3A_97 : memref<1x4096xf32, #tpu.memory_space<hbm>> -> memref<4096xf32, #tpu.memory_space<hbm>>
    %dma_start3A_99 = arith.constant 0 : i32
    %dma_start3A_100 = tpu.memref_slice %arg7[%dma_start3A_89, %dma_start3A_99] : memref<2x4096xf32, #tpu.memory_space<vmem>> -> memref<1x4096xf32, #tpu.memory_space<vmem>>
    %dma_start3A_101 = tpu.memref_squeeze %dma_start3A_100 : memref<1x4096xf32, #tpu.memory_space<vmem>> -> memref<4096xf32, #tpu.memory_space<vmem>>
    tpu.enqueue_dma source(%dma_start3A_101 : memref<4096xf32, #tpu.memory_space<vmem>>) target(%dma_start3A_98 : memref<4096xf32, #tpu.memory_space<hbm>>) target_semaphore(%arg10 : memref<!tpu.dma_semaphore, #tpu.memory_space<semaphore_mem>>)
    %dma_wait3A_102 = arith.constant 0 : i32
    %dma_wait3A_103 = arith.constant 0 : i32
    %dma_wait3A_104 = tpu.memref_slice %arg7[%dma_wait3A_102, %dma_wait3A_103] : memref<2x4096xf32, #tpu.memory_space<vmem>> -> memref<1x4096xf32, #tpu.memory_space<vmem>>
    %dma_wait3A_105 = tpu.memref_squeeze %dma_wait3A_104 : memref<1x4096xf32, #tpu.memory_space<vmem>> -> memref<4096xf32, #tpu.memory_space<vmem>>
    %dma_wait3A_106 = arith.constant 8192 : i32
    %dma_wait3A_107 = tpu.memref_slice %arg4[%add3A_7, %dma_wait3A_106] : memref<64x16384xf32, #tpu.memory_space<hbm>> -> memref<1x4096xf32, #tpu.memory_space<hbm>>
    %dma_wait3A_108 = tpu.memref_squeeze %dma_wait3A_107 : memref<1x4096xf32, #tpu.memory_space<hbm>> -> memref<4096xf32, #tpu.memory_space<hbm>>
    %dma_wait3A_109 = arith.constant 8192 : i32
    %dma_wait3A_110 = tpu.memref_slice %arg4[%add3A_7, %dma_wait3A_109] : memref<64x16384xf32, #tpu.memory_space<hbm>> -> memref<1x4096xf32, #tpu.memory_space<hbm>>
    %dma_wait3A_111 = tpu.memref_squeeze %dma_wait3A_110 : memref<1x4096xf32, #tpu.memory_space<hbm>> -> memref<4096xf32, #tpu.memory_space<hbm>>
    %dma_wait3A_112 = arith.constant 0 : i32
    %dma_wait3A_113 = tpu.memref_slice %arg7[%dma_wait3A_102, %dma_wait3A_112] : memref<2x4096xf32, #tpu.memory_space<vmem>> -> memref<1x4096xf32, #tpu.memory_space<vmem>>
    %dma_wait3A_114 = tpu.memref_squeeze %dma_wait3A_113 : memref<1x4096xf32, #tpu.memory_space<vmem>> -> memref<4096xf32, #tpu.memory_space<vmem>>
    tpu.wait_dma2 semaphore(%arg9 : memref<!tpu.dma_semaphore, #tpu.memory_space<semaphore_mem>>) src(%dma_wait3A_114 : memref<4096xf32, #tpu.memory_space<vmem>>) dst(%dma_wait3A_111 : memref<4096xf32, #tpu.memory_space<hbm>>)
    %dma_wait3A_115 = arith.constant 1 : i32
    %dma_wait3A_116 = arith.constant 0 : i32
    %dma_wait3A_117 = tpu.memref_slice %arg7[%dma_wait3A_115, %dma_wait3A_116] : memref<2x4096xf32, #tpu.memory_space<vmem>> -> memref<1x4096xf32, #tpu.memory_space<vmem>>
    %dma_wait3A_118 = tpu.memref_squeeze %dma_wait3A_117 : memref<1x4096xf32, #tpu.memory_space<vmem>> -> memref<4096xf32, #tpu.memory_space<vmem>>
    %dma_wait3A_119 = arith.constant 12288 : i32
    %dma_wait3A_120 = tpu.memref_slice %arg4[%add3A_7, %dma_wait3A_119] : memref<64x16384xf32, #tpu.memory_space<hbm>> -> memref<1x4096xf32, #tpu.memory_space<hbm>>
    %dma_wait3A_121 = tpu.memref_squeeze %dma_wait3A_120 : memref<1x4096xf32, #tpu.memory_space<hbm>> -> memref<4096xf32, #tpu.memory_space<hbm>>
    %dma_wait3A_122 = arith.constant 12288 : i32
    %dma_wait3A_123 = tpu.memref_slice %arg4[%add3A_7, %dma_wait3A_122] : memref<64x16384xf32, #tpu.memory_space<hbm>> -> memref<1x4096xf32, #tpu.memory_space<hbm>>
    %dma_wait3A_124 = tpu.memref_squeeze %dma_wait3A_123 : memref<1x4096xf32, #tpu.memory_space<hbm>> -> memref<4096xf32, #tpu.memory_space<hbm>>
    %dma_wait3A_125 = arith.constant 0 : i32
    %dma_wait3A_126 = tpu.memref_slice %arg7[%dma_wait3A_115, %dma_wait3A_125] : memref<2x4096xf32, #tpu.memory_space<vmem>> -> memref<1x4096xf32, #tpu.memory_space<vmem>>
    %dma_wait3A_127 = tpu.memref_squeeze %dma_wait3A_126 : memref<1x4096xf32, #tpu.memory_space<vmem>> -> memref<4096xf32, #tpu.memory_space<vmem>>
    tpu.wait_dma2 semaphore(%arg10 : memref<!tpu.dma_semaphore, #tpu.memory_space<semaphore_mem>>) src(%dma_wait3A_127 : memref<4096xf32, #tpu.memory_space<vmem>>) dst(%dma_wait3A_124 : memref<4096xf32, #tpu.memory_space<hbm>>)
    %add3A_128 = arith.constant 32 : i32
    %add3A_129 = arith.addi %add3A, %add3A_128 : i32
    %dma_start3A_130 = arith.constant 0 : i32
    %dma_start3A_131 = tpu.memref_slice %arg3[%add3A_129, %dma_start3A_130] : memref<64x100001xf32, #tpu.memory_space<hbm>> -> memref<1x100001xf32, #tpu.memory_space<hbm>>
    %dma_start3A_132 = tpu.memref_squeeze %dma_start3A_131 : memref<1x100001xf32, #tpu.memory_space<hbm>> -> memref<100001xf32, #tpu.memory_space<hbm>>
    %dma_start3A_133 = arith.constant 0 : i32
    %dma_start3A_134 = tpu.memref_slice %arg3[%add3A_129, %dma_start3A_133] : memref<64x100001xf32, #tpu.memory_space<hbm>> -> memref<1x100001xf32, #tpu.memory_space<hbm>>
    %dma_start3A_135 = tpu.memref_squeeze %dma_start3A_134 : memref<1x100001xf32, #tpu.memory_space<hbm>> -> memref<100001xf32, #tpu.memory_space<hbm>>
    tpu.enqueue_dma source(%dma_start3A_135 : memref<100001xf32, #tpu.memory_space<hbm>>) target(%arg5 : memref<100001xf32, #tpu.memory_space<vmem>>) target_semaphore(%arg8 : memref<!tpu.dma_semaphore, #tpu.memory_space<semaphore_mem>>)
    %add3A_136 = arith.constant 32 : i32
    %add3A_137 = arith.addi %add3A, %add3A_136 : i32
    %dma_wait3A_138 = arith.constant 0 : i32
    %dma_wait3A_139 = tpu.memref_slice %arg3[%add3A_129, %dma_wait3A_138] : memref<64x100001xf32, #tpu.memory_space<hbm>> -> memref<1x100001xf32, #tpu.memory_space<hbm>>
    %dma_wait3A_140 = tpu.memref_squeeze %dma_wait3A_139 : memref<1x100001xf32, #tpu.memory_space<hbm>> -> memref<100001xf32, #tpu.memory_space<hbm>>
    %dma_wait3A_141 = arith.constant 0 : i32
    %dma_wait3A_142 = tpu.memref_slice %arg3[%add3A_129, %dma_wait3A_141] : memref<64x100001xf32, #tpu.memory_space<hbm>> -> memref<1x100001xf32, #tpu.memory_space<hbm>>
    %dma_wait3A_143 = tpu.memref_squeeze %dma_wait3A_142 : memref<1x100001xf32, #tpu.memory_space<hbm>> -> memref<100001xf32, #tpu.memory_space<hbm>>
    tpu.wait_dma2 semaphore(%arg8 : memref<!tpu.dma_semaphore, #tpu.memory_space<semaphore_mem>>) src(%dma_wait3A_143 : memref<100001xf32, #tpu.memory_space<hbm>>) dst(%arg5 : memref<100001xf32, #tpu.memory_space<vmem>>)
    %parallel_loop3A_144 = arith.constant 0 : i32
    %parallel_loop3A_145 = arith.constant 4096 : i32
    %parallel_loop3A_146 = arith.constant 16 : i32
    scf.for %parallel_loop3A_260 = %parallel_loop3A_144 to %parallel_loop3A_145 step %parallel_loop3A_146  : i32 {
      %parallel_loop3A_261 = arith.constant 0 : i32
      %parallel_loop3A_262 = arith.addi %parallel_loop3A_261, %parallel_loop3A_260 : i32
      %parallel_loop3A_263 = arith.index_cast %parallel_loop3A_262 : i32 to index
      %parallel_loop3A_264 = tpu.vector_load %arg6[%parallel_loop3A_263] {strides = array<i32>} : memref<16384xi32, #tpu.memory_space<vmem>>, vector<16xi32>,
      %parallel_loop3A_265 = tpu.vector_load_idx %arg5[%parallel_loop3A_264] : memref<100001xf32, #tpu.memory_space<vmem>>[vector<16xi32>], vector<16xf32>,
      %parallel_loop3A_266 = arith.constant 0 : i32
      %parallel_loop3A_267 = arith.index_cast %parallel_loop3A_266 : i32 to index
      %parallel_loop3A_268 = arith.index_cast %parallel_loop3A_260 : i32 to index
      %parallel_loop3A_269 = tpu.vector_load %arg7[%parallel_loop3A_267, %parallel_loop3A_268] {strides = array<i32>} : memref<2x4096xf32, #tpu.memory_space<vmem>>, vector<16xf32>,
      tpu.vector_store %arg7[%parallel_loop3A_267, %parallel_loop3A_268], %parallel_loop3A_265 {strides = array<i32>} : memref<2x4096xf32, #tpu.memory_space<vmem>>, vector<16xf32>,
    } {sc.loop_unroll_factor = 8 : i64, sc.parallel_access}
    %dma_start3A_147 = arith.constant 0 : i32
    %dma_start3A_148 = arith.constant 0 : i32
    %dma_start3A_149 = tpu.memref_slice %arg7[%dma_start3A_147, %dma_start3A_148] : memref<2x4096xf32, #tpu.memory_space<vmem>> -> memref<1x4096xf32, #tpu.memory_space<vmem>>
    %dma_start3A_150 = tpu.memref_squeeze %dma_start3A_149 : memref<1x4096xf32, #tpu.memory_space<vmem>> -> memref<4096xf32, #tpu.memory_space<vmem>>
    %dma_start3A_151 = arith.constant 0 : i32
    %dma_start3A_152 = tpu.memref_slice %arg4[%add3A_137, %dma_start3A_151] : memref<64x16384xf32, #tpu.memory_space<hbm>> -> memref<1x4096xf32, #tpu.memory_space<hbm>>
    %dma_start3A_153 = tpu.memref_squeeze %dma_start3A_152 : memref<1x4096xf32, #tpu.memory_space<hbm>> -> memref<4096xf32, #tpu.memory_space<hbm>>
    %dma_start3A_154 = arith.constant 0 : i32
    %dma_start3A_155 = tpu.memref_slice %arg4[%add3A_137, %dma_start3A_154] : memref<64x16384xf32, #tpu.memory_space<hbm>> -> memref<1x4096xf32, #tpu.memory_space<hbm>>
    %dma_start3A_156 = tpu.memref_squeeze %dma_start3A_155 : memref<1x4096xf32, #tpu.memory_space<hbm>> -> memref<4096xf32, #tpu.memory_space<hbm>>
    %dma_start3A_157 = arith.constant 0 : i32
    %dma_start3A_158 = tpu.memref_slice %arg7[%dma_start3A_147, %dma_start3A_157] : memref<2x4096xf32, #tpu.memory_space<vmem>> -> memref<1x4096xf32, #tpu.memory_space<vmem>>
    %dma_start3A_159 = tpu.memref_squeeze %dma_start3A_158 : memref<1x4096xf32, #tpu.memory_space<vmem>> -> memref<4096xf32, #tpu.memory_space<vmem>>
    tpu.enqueue_dma source(%dma_start3A_159 : memref<4096xf32, #tpu.memory_space<vmem>>) target(%dma_start3A_156 : memref<4096xf32, #tpu.memory_space<hbm>>) target_semaphore(%arg9 : memref<!tpu.dma_semaphore, #tpu.memory_space<semaphore_mem>>)
    %parallel_loop3A_160 = arith.constant 0 : i32
    %parallel_loop3A_161 = arith.constant 4096 : i32
    %parallel_loop3A_162 = arith.constant 16 : i32
    scf.for %parallel_loop3A_260 = %parallel_loop3A_160 to %parallel_loop3A_161 step %parallel_loop3A_162  : i32 {
      %parallel_loop3A_261 = arith.constant 4096 : i32
      %parallel_loop3A_262 = arith.addi %parallel_loop3A_261, %parallel_loop3A_260 : i32
      %parallel_loop3A_263 = arith.index_cast %parallel_loop3A_262 : i32 to index
      %parallel_loop3A_264 = tpu.vector_load %arg6[%parallel_loop3A_263] {strides = array<i32>} : memref<16384xi32, #tpu.memory_space<vmem>>, vector<16xi32>,
      %parallel_loop3A_265 = tpu.vector_load_idx %arg5[%parallel_loop3A_264] : memref<100001xf32, #tpu.memory_space<vmem>>[vector<16xi32>], vector<16xf32>,
      %parallel_loop3A_266 = arith.constant 1 : i32
      %parallel_loop3A_267 = arith.index_cast %parallel_loop3A_266 : i32 to index
      %parallel_loop3A_268 = arith.index_cast %parallel_loop3A_260 : i32 to index
      %parallel_loop3A_269 = tpu.vector_load %arg7[%parallel_loop3A_267, %parallel_loop3A_268] {strides = array<i32>} : memref<2x4096xf32, #tpu.memory_space<vmem>>, vector<16xf32>,
      tpu.vector_store %arg7[%parallel_loop3A_267, %parallel_loop3A_268], %parallel_loop3A_265 {strides = array<i32>} : memref<2x4096xf32, #tpu.memory_space<vmem>>, vector<16xf32>,
    } {sc.loop_unroll_factor = 8 : i64, sc.parallel_access}
    %dma_start3A_163 = arith.constant 1 : i32
    %dma_start3A_164 = arith.constant 0 : i32
    %dma_start3A_165 = tpu.memref_slice %arg7[%dma_start3A_163, %dma_start3A_164] : memref<2x4096xf32, #tpu.memory_space<vmem>> -> memref<1x4096xf32, #tpu.memory_space<vmem>>
    %dma_start3A_166 = tpu.memref_squeeze %dma_start3A_165 : memref<1x4096xf32, #tpu.memory_space<vmem>> -> memref<4096xf32, #tpu.memory_space<vmem>>
    %dma_start3A_167 = arith.constant 4096 : i32
    %dma_start3A_168 = tpu.memref_slice %arg4[%add3A_137, %dma_start3A_167] : memref<64x16384xf32, #tpu.memory_space<hbm>> -> memref<1x4096xf32, #tpu.memory_space<hbm>>
    %dma_start3A_169 = tpu.memref_squeeze %dma_start3A_168 : memref<1x4096xf32, #tpu.memory_space<hbm>> -> memref<4096xf32, #tpu.memory_space<hbm>>
    %dma_start3A_170 = arith.constant 4096 : i32
    %dma_start3A_171 = tpu.memref_slice %arg4[%add3A_137, %dma_start3A_170] : memref<64x16384xf32, #tpu.memory_space<hbm>> -> memref<1x4096xf32, #tpu.memory_space<hbm>>
    %dma_start3A_172 = tpu.memref_squeeze %dma_start3A_171 : memref<1x4096xf32, #tpu.memory_space<hbm>> -> memref<4096xf32, #tpu.memory_space<hbm>>
    %dma_start3A_173 = arith.constant 0 : i32
    %dma_start3A_174 = tpu.memref_slice %arg7[%dma_start3A_163, %dma_start3A_173] : memref<2x4096xf32, #tpu.memory_space<vmem>> -> memref<1x4096xf32, #tpu.memory_space<vmem>>
    %dma_start3A_175 = tpu.memref_squeeze %dma_start3A_174 : memref<1x4096xf32, #tpu.memory_space<vmem>> -> memref<4096xf32, #tpu.memory_space<vmem>>
    tpu.enqueue_dma source(%dma_start3A_175 : memref<4096xf32, #tpu.memory_space<vmem>>) target(%dma_start3A_172 : memref<4096xf32, #tpu.memory_space<hbm>>) target_semaphore(%arg10 : memref<!tpu.dma_semaphore, #tpu.memory_space<semaphore_mem>>)
    %dma_wait3A_176 = arith.constant 0 : i32
    %dma_wait3A_177 = arith.constant 0 : i32
    %dma_wait3A_178 = tpu.memref_slice %arg7[%dma_wait3A_176, %dma_wait3A_177] : memref<2x4096xf32, #tpu.memory_space<vmem>> -> memref<1x4096xf32, #tpu.memory_space<vmem>>
    %dma_wait3A_179 = tpu.memref_squeeze %dma_wait3A_178 : memref<1x4096xf32, #tpu.memory_space<vmem>> -> memref<4096xf32, #tpu.memory_space<vmem>>
    %dma_wait3A_180 = arith.constant 0 : i32
    %dma_wait3A_181 = tpu.memref_slice %arg4[%add3A_137, %dma_wait3A_180] : memref<64x16384xf32, #tpu.memory_space<hbm>> -> memref<1x4096xf32, #tpu.memory_space<hbm>>
    %dma_wait3A_182 = tpu.memref_squeeze %dma_wait3A_181 : memref<1x4096xf32, #tpu.memory_space<hbm>> -> memref<4096xf32, #tpu.memory_space<hbm>>
    %dma_wait3A_183 = arith.constant 0 : i32
    %dma_wait3A_184 = tpu.memref_slice %arg4[%add3A_137, %dma_wait3A_183] : memref<64x16384xf32, #tpu.memory_space<hbm>> -> memref<1x4096xf32, #tpu.memory_space<hbm>>
    %dma_wait3A_185 = tpu.memref_squeeze %dma_wait3A_184 : memref<1x4096xf32, #tpu.memory_space<hbm>> -> memref<4096xf32, #tpu.memory_space<hbm>>
    %dma_wait3A_186 = arith.constant 0 : i32
    %dma_wait3A_187 = tpu.memref_slice %arg7[%dma_wait3A_176, %dma_wait3A_186] : memref<2x4096xf32, #tpu.memory_space<vmem>> -> memref<1x4096xf32, #tpu.memory_space<vmem>>
    %dma_wait3A_188 = tpu.memref_squeeze %dma_wait3A_187 : memref<1x4096xf32, #tpu.memory_space<vmem>> -> memref<4096xf32, #tpu.memory_space<vmem>>
    tpu.wait_dma2 semaphore(%arg9 : memref<!tpu.dma_semaphore, #tpu.memory_space<semaphore_mem>>) src(%dma_wait3A_188 : memref<4096xf32, #tpu.memory_space<vmem>>) dst(%dma_wait3A_185 : memref<4096xf32, #tpu.memory_space<hbm>>)
    %parallel_loop3A_189 = arith.constant 0 : i32
    %parallel_loop3A_190 = arith.constant 4096 : i32
    %parallel_loop3A_191 = arith.constant 16 : i32
    scf.for %parallel_loop3A_260 = %parallel_loop3A_189 to %parallel_loop3A_190 step %parallel_loop3A_191  : i32 {
      %parallel_loop3A_261 = arith.constant 8192 : i32
      %parallel_loop3A_262 = arith.addi %parallel_loop3A_261, %parallel_loop3A_260 : i32
      %parallel_loop3A_263 = arith.index_cast %parallel_loop3A_262 : i32 to index
      %parallel_loop3A_264 = tpu.vector_load %arg6[%parallel_loop3A_263] {strides = array<i32>} : memref<16384xi32, #tpu.memory_space<vmem>>, vector<16xi32>,
      %parallel_loop3A_265 = tpu.vector_load_idx %arg5[%parallel_loop3A_264] : memref<100001xf32, #tpu.memory_space<vmem>>[vector<16xi32>], vector<16xf32>,
      %parallel_loop3A_266 = arith.constant 0 : i32
      %parallel_loop3A_267 = arith.index_cast %parallel_loop3A_266 : i32 to index
      %parallel_loop3A_268 = arith.index_cast %parallel_loop3A_260 : i32 to index
      %parallel_loop3A_269 = tpu.vector_load %arg7[%parallel_loop3A_267, %parallel_loop3A_268] {strides = array<i32>} : memref<2x4096xf32, #tpu.memory_space<vmem>>, vector<16xf32>,
      tpu.vector_store %arg7[%parallel_loop3A_267, %parallel_loop3A_268], %parallel_loop3A_265 {strides = array<i32>} : memref<2x4096xf32, #tpu.memory_space<vmem>>, vector<16xf32>,
    } {sc.loop_unroll_factor = 8 : i64, sc.parallel_access}
    %dma_start3A_192 = arith.constant 0 : i32
    %dma_start3A_193 = arith.constant 0 : i32
    %dma_start3A_194 = tpu.memref_slice %arg7[%dma_start3A_192, %dma_start3A_193] : memref<2x4096xf32, #tpu.memory_space<vmem>> -> memref<1x4096xf32, #tpu.memory_space<vmem>>
    %dma_start3A_195 = tpu.memref_squeeze %dma_start3A_194 : memref<1x4096xf32, #tpu.memory_space<vmem>> -> memref<4096xf32, #tpu.memory_space<vmem>>
    %dma_start3A_196 = arith.constant 8192 : i32
    %dma_start3A_197 = tpu.memref_slice %arg4[%add3A_137, %dma_start3A_196] : memref<64x16384xf32, #tpu.memory_space<hbm>> -> memref<1x4096xf32, #tpu.memory_space<hbm>>
    %dma_start3A_198 = tpu.memref_squeeze %dma_start3A_197 : memref<1x4096xf32, #tpu.memory_space<hbm>> -> memref<4096xf32, #tpu.memory_space<hbm>>
    %dma_start3A_199 = arith.constant 8192 : i32
    %dma_start3A_200 = tpu.memref_slice %arg4[%add3A_137, %dma_start3A_199] : memref<64x16384xf32, #tpu.memory_space<hbm>> -> memref<1x4096xf32, #tpu.memory_space<hbm>>
    %dma_start3A_201 = tpu.memref_squeeze %dma_start3A_200 : memref<1x4096xf32, #tpu.memory_space<hbm>> -> memref<4096xf32, #tpu.memory_space<hbm>>
    %dma_start3A_202 = arith.constant 0 : i32
    %dma_start3A_203 = tpu.memref_slice %arg7[%dma_start3A_192, %dma_start3A_202] : memref<2x4096xf32, #tpu.memory_space<vmem>> -> memref<1x4096xf32, #tpu.memory_space<vmem>>
    %dma_start3A_204 = tpu.memref_squeeze %dma_start3A_203 : memref<1x4096xf32, #tpu.memory_space<vmem>> -> memref<4096xf32, #tpu.memory_space<vmem>>
    tpu.enqueue_dma source(%dma_start3A_204 : memref<4096xf32, #tpu.memory_space<vmem>>) target(%dma_start3A_201 : memref<4096xf32, #tpu.memory_space<hbm>>) target_semaphore(%arg9 : memref<!tpu.dma_semaphore, #tpu.memory_space<semaphore_mem>>)
    %dma_wait3A_205 = arith.constant 1 : i32
    %dma_wait3A_206 = arith.constant 0 : i32
    %dma_wait3A_207 = tpu.memref_slice %arg7[%dma_wait3A_205, %dma_wait3A_206] : memref<2x4096xf32, #tpu.memory_space<vmem>> -> memref<1x4096xf32, #tpu.memory_space<vmem>>
    %dma_wait3A_208 = tpu.memref_squeeze %dma_wait3A_207 : memref<1x4096xf32, #tpu.memory_space<vmem>> -> memref<4096xf32, #tpu.memory_space<vmem>>
    %dma_wait3A_209 = arith.constant 4096 : i32
    %dma_wait3A_210 = tpu.memref_slice %arg4[%add3A_137, %dma_wait3A_209] : memref<64x16384xf32, #tpu.memory_space<hbm>> -> memref<1x4096xf32, #tpu.memory_space<hbm>>
    %dma_wait3A_211 = tpu.memref_squeeze %dma_wait3A_210 : memref<1x4096xf32, #tpu.memory_space<hbm>> -> memref<4096xf32, #tpu.memory_space<hbm>>
    %dma_wait3A_212 = arith.constant 4096 : i32
    %dma_wait3A_213 = tpu.memref_slice %arg4[%add3A_137, %dma_wait3A_212] : memref<64x16384xf32, #tpu.memory_space<hbm>> -> memref<1x4096xf32, #tpu.memory_space<hbm>>
    %dma_wait3A_214 = tpu.memref_squeeze %dma_wait3A_213 : memref<1x4096xf32, #tpu.memory_space<hbm>> -> memref<4096xf32, #tpu.memory_space<hbm>>
    %dma_wait3A_215 = arith.constant 0 : i32
    %dma_wait3A_216 = tpu.memref_slice %arg7[%dma_wait3A_205, %dma_wait3A_215] : memref<2x4096xf32, #tpu.memory_space<vmem>> -> memref<1x4096xf32, #tpu.memory_space<vmem>>
    %dma_wait3A_217 = tpu.memref_squeeze %dma_wait3A_216 : memref<1x4096xf32, #tpu.memory_space<vmem>> -> memref<4096xf32, #tpu.memory_space<vmem>>
    tpu.wait_dma2 semaphore(%arg10 : memref<!tpu.dma_semaphore, #tpu.memory_space<semaphore_mem>>) src(%dma_wait3A_217 : memref<4096xf32, #tpu.memory_space<vmem>>) dst(%dma_wait3A_214 : memref<4096xf32, #tpu.memory_space<hbm>>)
    %parallel_loop3A_218 = arith.constant 0 : i32
    %parallel_loop3A_219 = arith.constant 4096 : i32
    %parallel_loop3A_220 = arith.constant 16 : i32
    scf.for %parallel_loop3A_260 = %parallel_loop3A_218 to %parallel_loop3A_219 step %parallel_loop3A_220  : i32 {
      %parallel_loop3A_261 = arith.constant 12288 : i32
      %parallel_loop3A_262 = arith.addi %parallel_loop3A_261, %parallel_loop3A_260 : i32
      %parallel_loop3A_263 = arith.index_cast %parallel_loop3A_262 : i32 to index
      %parallel_loop3A_264 = tpu.vector_load %arg6[%parallel_loop3A_263] {strides = array<i32>} : memref<16384xi32, #tpu.memory_space<vmem>>, vector<16xi32>,
      %parallel_loop3A_265 = tpu.vector_load_idx %arg5[%parallel_loop3A_264] : memref<100001xf32, #tpu.memory_space<vmem>>[vector<16xi32>], vector<16xf32>,
      %parallel_loop3A_266 = arith.constant 1 : i32
      %parallel_loop3A_267 = arith.index_cast %parallel_loop3A_266 : i32 to index
      %parallel_loop3A_268 = arith.index_cast %parallel_loop3A_260 : i32 to index
      %parallel_loop3A_269 = tpu.vector_load %arg7[%parallel_loop3A_267, %parallel_loop3A_268] {strides = array<i32>} : memref<2x4096xf32, #tpu.memory_space<vmem>>, vector<16xf32>,
      tpu.vector_store %arg7[%parallel_loop3A_267, %parallel_loop3A_268], %parallel_loop3A_265 {strides = array<i32>} : memref<2x4096xf32, #tpu.memory_space<vmem>>, vector<16xf32>,
    } {sc.loop_unroll_factor = 8 : i64, sc.parallel_access}
    %dma_start3A_221 = arith.constant 1 : i32
    %dma_start3A_222 = arith.constant 0 : i32
    %dma_start3A_223 = tpu.memref_slice %arg7[%dma_start3A_221, %dma_start3A_222] : memref<2x4096xf32, #tpu.memory_space<vmem>> -> memref<1x4096xf32, #tpu.memory_space<vmem>>
    %dma_start3A_224 = tpu.memref_squeeze %dma_start3A_223 : memref<1x4096xf32, #tpu.memory_space<vmem>> -> memref<4096xf32, #tpu.memory_space<vmem>>
    %dma_start3A_225 = arith.constant 12288 : i32
    %dma_start3A_226 = tpu.memref_slice %arg4[%add3A_137, %dma_start3A_225] : memref<64x16384xf32, #tpu.memory_space<hbm>> -> memref<1x4096xf32, #tpu.memory_space<hbm>>
    %dma_start3A_227 = tpu.memref_squeeze %dma_start3A_226 : memref<1x4096xf32, #tpu.memory_space<hbm>> -> memref<4096xf32, #tpu.memory_space<hbm>>
    %dma_start3A_228 = arith.constant 12288 : i32
    %dma_start3A_229 = tpu.memref_slice %arg4[%add3A_137, %dma_start3A_228] : memref<64x16384xf32, #tpu.memory_space<hbm>> -> memref<1x4096xf32, #tpu.memory_space<hbm>>
    %dma_start3A_230 = tpu.memref_squeeze %dma_start3A_229 : memref<1x4096xf32, #tpu.memory_space<hbm>> -> memref<4096xf32, #tpu.memory_space<hbm>>
    %dma_start3A_231 = arith.constant 0 : i32
    %dma_start3A_232 = tpu.memref_slice %arg7[%dma_start3A_221, %dma_start3A_231] : memref<2x4096xf32, #tpu.memory_space<vmem>> -> memref<1x4096xf32, #tpu.memory_space<vmem>>
    %dma_start3A_233 = tpu.memref_squeeze %dma_start3A_232 : memref<1x4096xf32, #tpu.memory_space<vmem>> -> memref<4096xf32, #tpu.memory_space<vmem>>
    tpu.enqueue_dma source(%dma_start3A_233 : memref<4096xf32, #tpu.memory_space<vmem>>) target(%dma_start3A_230 : memref<4096xf32, #tpu.memory_space<hbm>>) target_semaphore(%arg10 : memref<!tpu.dma_semaphore, #tpu.memory_space<semaphore_mem>>)
    %dma_wait3A_234 = arith.constant 0 : i32
    %dma_wait3A_235 = arith.constant 0 : i32
    %dma_wait3A_236 = tpu.memref_slice %arg7[%dma_wait3A_234, %dma_wait3A_235] : memref<2x4096xf32, #tpu.memory_space<vmem>> -> memref<1x4096xf32, #tpu.memory_space<vmem>>
    %dma_wait3A_237 = tpu.memref_squeeze %dma_wait3A_236 : memref<1x4096xf32, #tpu.memory_space<vmem>> -> memref<4096xf32, #tpu.memory_space<vmem>>
    %dma_wait3A_238 = arith.constant 8192 : i32
    %dma_wait3A_239 = tpu.memref_slice %arg4[%add3A_137, %dma_wait3A_238] : memref<64x16384xf32, #tpu.memory_space<hbm>> -> memref<1x4096xf32, #tpu.memory_space<hbm>>
    %dma_wait3A_240 = tpu.memref_squeeze %dma_wait3A_239 : memref<1x4096xf32, #tpu.memory_space<hbm>> -> memref<4096xf32, #tpu.memory_space<hbm>>
    %dma_wait3A_241 = arith.constant 8192 : i32
    %dma_wait3A_242 = tpu.memref_slice %arg4[%add3A_137, %dma_wait3A_241] : memref<64x16384xf32, #tpu.memory_space<hbm>> -> memref<1x4096xf32, #tpu.memory_space<hbm>>
    %dma_wait3A_243 = tpu.memref_squeeze %dma_wait3A_242 : memref<1x4096xf32, #tpu.memory_space<hbm>> -> memref<4096xf32, #tpu.memory_space<hbm>>
    %dma_wait3A_244 = arith.constant 0 : i32
    %dma_wait3A_245 = tpu.memref_slice %arg7[%dma_wait3A_234, %dma_wait3A_244] : memref<2x4096xf32, #tpu.memory_space<vmem>> -> memref<1x4096xf32, #tpu.memory_space<vmem>>
    %dma_wait3A_246 = tpu.memref_squeeze %dma_wait3A_245 : memref<1x4096xf32, #tpu.memory_space<vmem>> -> memref<4096xf32, #tpu.memory_space<vmem>>
    tpu.wait_dma2 semaphore(%arg9 : memref<!tpu.dma_semaphore, #tpu.memory_space<semaphore_mem>>) src(%dma_wait3A_246 : memref<4096xf32, #tpu.memory_space<vmem>>) dst(%dma_wait3A_243 : memref<4096xf32, #tpu.memory_space<hbm>>)
    %dma_wait3A_247 = arith.constant 1 : i32
    %dma_wait3A_248 = arith.constant 0 : i32
    %dma_wait3A_249 = tpu.memref_slice %arg7[%dma_wait3A_247, %dma_wait3A_248] : memref<2x4096xf32, #tpu.memory_space<vmem>> -> memref<1x4096xf32, #tpu.memory_space<vmem>>
    %dma_wait3A_250 = tpu.memref_squeeze %dma_wait3A_249 : memref<1x4096xf32, #tpu.memory_space<vmem>> -> memref<4096xf32, #tpu.memory_space<vmem>>
    %dma_wait3A_251 = arith.constant 12288 : i32
    %dma_wait3A_252 = tpu.memref_slice %arg4[%add3A_137, %dma_wait3A_251] : memref<64x16384xf32, #tpu.memory_space<hbm>> -> memref<1x4096xf32, #tpu.memory_space<hbm>>
    %dma_wait3A_253 = tpu.memref_squeeze %dma_wait3A_252 : memref<1x4096xf32, #tpu.memory_space<hbm>> -> memref<4096xf32, #tpu.memory_space<hbm>>
    %dma_wait3A_254 = arith.constant 12288 : i32
    %dma_wait3A_255 = tpu.memref_slice %arg4[%add3A_137, %dma_wait3A_254] : memref<64x16384xf32, #tpu.memory_space<hbm>> -> memref<1x4096xf32, #tpu.memory_space<hbm>>
    %dma_wait3A_256 = tpu.memref_squeeze %dma_wait3A_255 : memref<1x4096xf32, #tpu.memory_space<hbm>> -> memref<4096xf32, #tpu.memory_space<hbm>>
    %dma_wait3A_257 = arith.constant 0 : i32
    %dma_wait3A_258 = tpu.memref_slice %arg7[%dma_wait3A_247, %dma_wait3A_257] : memref<2x4096xf32, #tpu.memory_space<vmem>> -> memref<1x4096xf32, #tpu.memory_space<vmem>>
    %dma_wait3A_259 = tpu.memref_squeeze %dma_wait3A_258 : memref<1x4096xf32, #tpu.memory_space<vmem>> -> memref<4096xf32, #tpu.memory_space<vmem>>
    tpu.wait_dma2 semaphore(%arg10 : memref<!tpu.dma_semaphore, #tpu.memory_space<semaphore_mem>>) src(%dma_wait3A_259 : memref<4096xf32, #tpu.memory_space<vmem>>) dst(%dma_wait3A_256 : memref<4096xf32, #tpu.memory_space<hbm>>)
    return
  }
}

</mosaic_0001>

<sc_bundles>
// kernel: kernel.3.cloned.1.call-start
scs
__scs_entry_jumppad:
0x0: {  	(pc) =	sbr.rel $0x88, $3  }
0x1: {  	(tag) =	ssettag $0x0;
	lr =	simm.s32 $0x1  }
0x2: {  	[smem:$0x3F9F] =	sst lr;
	_ =	strace $0xD0000000  }
0x3: {  	_ = 	snop  }
0x4: {  	_ = 	snop  }
0x5: {  	_ = 	snop  }
0x6: {  	_ = 	snop  }
0x7: {  	_ = 	snop  }
__scs_overlays_trampoline_lowered:
0x8: {  	[smem:$0x3FAE] =	sst s0  }
0x9: {  	[smem:$0x3FAF] =	sst s1  }
0xa: {  	[smem:$0x3FB0] =	sst s2  }
0xb: {  	[smem:$0x3FB1] =	sst s3  }
0xc: {  	[smem:$0x3FB2] =	sst s4  }
0xd: {  	[smem:$0x3FB3] =	sst s5  }
0xe: {  	[smem:$0x3FB4] =	sst s6  }
0xf: {  	[smem:$0x3FB5] =	sst s7  }
0x10: {  	[smem:$0x3FB6] =	sst s8  }
0x11: {  	[smem:$0x3FB7] =	sst s9;
	s0 =	simm.s32 @!p0 $0x0  }
0x12: {  	s1 =	sld [smem:$0x3F9D];
	s0 =	simm.s32 @p0 $0x1  }
0x13: {  	[smem:$0x3FB8] =	sst s0;
	s0 =	simm.s32 @!p1 $0x0  }
0x14: {  	s2 =	sld [smem:$0x3F9C];
	s0 =	simm.s32 @p1 $0x1  }
0x15: {  	[smem:$0x3FB9] =	sst s0;
	s0 =	simm.s32 @!p2 $0x0  }
0x16: {  	s3 =	sld [smem:$0x3FDB];
	s0 =	simm.s32 @p2 $0x1  }
0x17: {  	s4 =	simm.s32 $0x1BF5;
	[smem:$0x3FBB] =	sst s0  }
0x18: {  	s0 =	sld [smem:$0x3F9E];
	_ =	swait.ge [sflag:s4], $0x0  }
0x19: {  	s7 =	sld [smem:$0x3F9F]  }
0x1a: {  	s8 =	sadd.s32 $0xFFFFE003, lr  }
0x1b: {  	s9 =	sadd.s32 $0xFFFFFEF7, lr;
	s5 =	simm.s32 $0xFFFFFFFF;
	p2 =	slt.u32 s8, $0xFFFFF086  }
0x1c: {  	p1 =	slt.u32 s9, $0xF7A;
	s5 =	simm.s32 @!p2 $0x0  }
0x1d: {  	s5 =	simm.s32 @p1 $0x1;
	p0 =	seq.s32 s7, s2  }
0x1e: {  	s7 =	smul.u32 @!p0 $0xF7A, s2;
	p2 =	seq.s32 @!p0 s5, $0x0  }
0x1f: {  	s9 =	smul.u32 $0xF7A, s1;
	s8 =	simm.s32 @!p0 $0x1BF5;
	p2 =	por !p2, p0  }
0x20: {  	[sflag:s8] =	ssyncset.s32 @!p0 $0xFFFFF086;
	s6 =	sadd.s32 @!p0 s3, s7;
	s7 =	simm.s32 @!p0 $0x108  }
0x21: {  	s3 =	sadd.s32 s3, s9;
	s6 =	sadd.s32 @!p0 $0x88, s6;
	s7 =	simm.s32 @p2 $0x1082  }
0x22: {  	[simem:s7], [sflag:s8] =	dma.local @!p0 [hbm:s6], $0xF7A  }
0x23: {  	s9 =	sor.u32 $0xD0000000, s2;
	s6 =	simm.s32 $0x108;
	_ =	swait.ge @!p0 [sflag:s8], $0x0  }
0x24: {  	s3 =	sadd.s32 $0x88, s3;
	s6 =	simm.s32 @!p1 $0x1082;
	[sflag:s4] =	ssyncset.s32 $0xFFFFF086  }
0x25: {  	[simem:s6], [sflag:s4] =	dma.local [hbm:s3], $0xF7A  }
0x26: {  	[smem:$0x3F9F] =	sst s1;
	(tag) =	ssettag s2;
	_ =	strace s9  }
0x27: {  	s1 =	sld [smem:$0x3FAF]  }
0x28: {  	s2 =	sld [smem:$0x3FB0]  }
0x29: {  	s4 =	sld [smem:$0x3FB2]  }
0x2a: {  	p0 =	seq.s32 s5, $0x0;
	s5 =	sld [smem:$0x3FB3]  }
0x2b: {  	s6 =	sld [smem:$0x3FB4]  }
0x2c: {  	s7 =	sld [smem:$0x3FB5]  }
0x2d: {  	s3 =	simm.s32 $0x108;
	s8 =	sld [smem:$0x3FB6]  }
0x2e: {  	s3 =	simm.s32 @!p0 $0x1082;
	s9 =	sld [smem:$0x3FB7]  }
0x2f: {  	lr =	sadd.s32 s0, s3;
	s0 =	sld [smem:$0x3FAE]  }
0x30: {  	s3 =	sld [smem:$0x3FB1]  }
0x31: {  	[smem:$0x3FBA] =	sst s10  }
0x32: {  	s10 =	sld [smem:$0x3FB8];
	_ =	sdelay $0x3  }
0x33: {  	p0 =	seq.s32 s10, $0x1;
	s10 =	sld [smem:$0x3FBA];
	_ =	sdelay $0x3  }
0x34: {  	[smem:$0x3FBA] =	sst s10  }
0x35: {  	s10 =	sld [smem:$0x3FB9];
	_ =	sdelay $0x3  }
0x36: {  	p1 =	seq.s32 s10, $0x1;
	s10 =	sld [smem:$0x3FBA];
	_ =	sdelay $0x3  }
0x37: {  	[smem:$0x3FBA] =	sst s10  }
0x38: {  	s10 =	sld [smem:$0x3FBB]  }
0x39: {  	_ = 	snop;
	(pc) =	sbr.ind lr, $3  }
0x3a: {  	_ = 	snop  }
0x3b: {  	_ = 	snop  }
0x3c: {  	p2 =	seq.s32 s10, $0x1;
	s10 =	sld [smem:$0x3FBA]  }
0x3d: {  	_ =	shalt  }
0x3e: {  	_ =	shalt  }
0x3f: {  	_ =	shalt  }
0x40: {  	_ =	shalt  }
0x41: {  	_ =	shalt  }
0x42: {  	_ =	shalt  }
0x43: {  	_ =	shalt  }
0x44: {  	_ =	shalt  }
0x45: {  	_ =	shalt  }
0x46: {  	_ =	shalt  }
0x47: {  	_ =	shalt  }
0x48: {  	_ =	shalt  }
0x49: {  	_ =	shalt  }
0x4a: {  	_ =	shalt  }
0x4b: {  	_ =	shalt  }
0x4c: {  	_ =	shalt  }
0x4d: {  	_ =	shalt  }
0x4e: {  	_ =	shalt  }
0x4f: {  	_ =	shalt  }
0x50: {  	_ =	shalt  }
0x51: {  	_ =	shalt  }
0x52: {  	_ =	shalt  }
0x53: {  	_ =	shalt  }
0x54: {  	_ =	shalt  }
0x55: {  	_ =	shalt  }
0x56: {  	_ =	shalt  }
0x57: {  	_ =	shalt  }
0x58: {  	_ =	shalt  }
0x59: {  	_ =	shalt  }
0x5a: {  	_ =	shalt  }
0x5b: {  	_ =	shalt  }
0x5c: {  	_ =	shalt  }
0x5d: {  	_ =	shalt  }
0x5e: {  	_ =	shalt  }
0x5f: {  	_ =	shalt  }
0x60: {  	_ =	shalt  }
0x61: {  	_ =	shalt  }
0x62: {  	_ =	shalt  }
0x63: {  	_ =	shalt  }
0x64: {  	_ =	shalt  }
0x65: {  	_ =	shalt  }
0x66: {  	_ =	shalt  }
0x67: {  	_ =	shalt  }
0x68: {  	_ =	shalt  }
0x69: {  	_ =	shalt  }
0x6a: {  	_ =	shalt  }
0x6b: {  	_ =	shalt  }
0x6c: {  	_ =	shalt  }
0x6d: {  	_ =	shalt  }
0x6e: {  	_ =	shalt  }
0x6f: {  	_ =	shalt  }
0x70: {  	_ =	shalt  }
0x71: {  	_ =	shalt  }
0x72: {  	_ =	shalt  }
0x73: {  	_ =	shalt  }
0x74: {  	_ =	shalt  }
0x75: {  	_ =	shalt  }
0x76: {  	_ =	shalt  }
0x77: {  	_ =	shalt  }
0x78: {  	_ =	shalt  }
0x79: {  	_ =	shalt  }
0x7a: {  	_ =	shalt  }
0x7b: {  	_ =	shalt  }
0x7c: {  	_ =	shalt  }
0x7d: {  	_ =	shalt  }
0x7e: {  	_ =	shalt  }
0x7f: {  	_ =	shalt  }
0x80: {  	_ =	shalt  }
0x81: {  	_ =	shalt  }
0x82: {  	_ =	shalt  }
0x83: {  	_ =	shalt  }
0x84: {  	_ =	shalt  }
0x85: {  	_ =	shalt  }
0x86: {  	_ =	shalt  }
0x87: {  	_ =	shalt  }
.Lfunc_end0:
.L_simem_size_0:
called_computation_lowered:
.L_overlay_start_0:
0x88: {  	s2 =	sld [smem:$0x3FD9]  }
0x89: {  	s3 =	sld [smem:$0x3FFE];
	_ =	sdelay $0x1  }
0x8a: {  	s1 =	srdreg.scid  }
0x8b: {  	s0 =	sand.u32 $0x1, s1  }
0x8c: {  	s18 =	sshll.u32 s0, $0xA;
	s2 =	sadd.s32 s3, s2  }
0x8d: {  	s2 =	sadd.s32 s2, s18  }
0x8e: {  	[smem:$0x3FC6] =	sst s2  }
0x8f: {  	_ = 	snop  }
0x90: {  	s2 =	sld [smem:$0x3FC9]  }
0x91: {  	s19 =	sld [smem:$0x3FC8]  }
0x92: {  	s4 =	sld [smem:$0x3FD0];
	(tm) =	ssettm $0x1  }
0x93: {  	s5 =	sld [smem:$0x3FFB];
	_ =	sdelay $0x3  }
0x94: {  	_ =	strace s5  }
0x95: {  	s5 =	sld [smem:$0x3FFC];
	_ =	sdelay $0x3  }
0x96: {  	_ =	strace s5  }
0x97: {  	s5 =	sld [smem:$0x3FFD];
	_ =	sdelay $0x3  }
0x98: {  	_ =	strace s5  }
0x99: {  	_ =	strace $0x8FFFFFFF  }
0x9a: {  	s20 =	sld [smem:$0x3FDB];
	_ =	sdelay $0x1  }
0x9b: {  	s6 =	simm.s32 $_scs_section_size  }
0x9c: {  	s7 =	simm.s32 $_size__tile_overlayer_lowered;
	s8 =	simm.s32 $_tile_overlayer_lowered  }
0x9d: {  	s23 =	simm.s32 $0x1BFF;
	s22 =	sshll.u32 s8, $0x1;
	s5 =	sadd.s32 s6, s20  }
0x9e: {  	s9 =	simm.s32 $0x0;
	s21 =	sshll.u32 s7, $0x1;
	s7 =	sadd.s32 s22, s5  }
0x9f: {  	[timem:s9], [sflag:s23] =	dma.local [hbm:s7], s21  }
0xa0: {  	_ =	swait.ge [sflag:s23], s21  }
0xa1: {  	s6 =	ssub.s32 $0x0, s21;
	[sflag:s23] =	ssyncset.done $0x0  }
0xa2: {  	[sflag:s23] =	ssyncadd.s32 s6;
	_ =	sdelay $0x1  }
0xa3: {  	s24 =	simm.s32 $0x1B8B  }
0xa4: {  	_ =	swait.ge [sflag:s24], $0x1  }
0xa5: {  	[sflag:s24] =	ssyncset.done $0x0  }
0xa6: {  	s25 =	simm.s32 $0x1B8E;
	[sflag:s24] =	ssyncadd.s32 $0xFFFFFFFF  }
0xa7: {  	s26 =	simm.s32 $execute0_lowered;
	[smem:$0x3FD2] =	sst s25  }
0xa8: {  	s6 =	sshll.u32 s26, $0x1;
	_ =	strace $0x80000046;
	[dreg:$0x1] =	wrdreg $0xFFFFFFFF  }
0xa9: {  	s28 =	simm.s32 $_size_execute0_lowered;
	s5 =	sadd.s32 s5, s6;
	[dreg:$0x0] =	wrdreg $0x0  }
0xaa: {  	s6 =	sshll.u32 s28, $0x1;
	[dreg:$0x2] =	wrdreg s5  }
0xab: {  	[dreg:$0x3] =	wrdreg s6  }
0xac: {  	[dreg:$0x4] =	wrdreg $0xC0  }
0xad: {  	_ =	task [dreg:s9], $0x5FFFF  }
0xae: {  	[dreg:$0x1] =	wrdreg $0xFFFFFFFF  }
0xaf: {  	[dreg:$0x0] =	wrdreg $0x60  }
0xb0: {  	[dreg:$0x2] =	wrdreg s2  }
0xb1: {  	[dreg:$0x3] =	wrdreg s19  }
0xb2: {  	[dreg:$0x4] =	wrdreg s4  }
0xb3: {  	[dreg:$0x5] =	wrdreg $0x9  }
0xb4: {  	_ =	task.clear_ibuf [dreg:s9], $0x6FFFF;
	_ =	strace $0x90000046  }
0xb5: {  	s29 =	simm.s32 $0x9;
	_ =	strace $0x80000048  }
0xb6: {  	_ =	swait.ge [sflag:s29], $0x1  }
0xb7: {  	[sflag:s29] =	ssyncadd.s32 $0xFFFFFFFF  }
0xb8: {  	_ =	strace $0x90000048  }
0xb9: {  	_ =	sfence  }
0xba: {  	s30 =	sld [smem:$0x0];
	_ =	sdelay $0x2  }
0xbb: {  	s31 =	sshll.u32 s1, $0xD;
	s1 =	sshrl.u32 s1, $0x2  }
0xbc: {  	s3 =	sand.u32 $0x4000, s31;
	s1 =	sadd.s32 s1, s30  }
0xbd: {  	s0 =	sor.u32 s3, s0;
	s1 =	sshll.u32 s1, $0x11  }
0xbe: {  	s0 =	sor.u32 s1, s0  }
0xbf: {  	s0 =	sadd.s32 $0x8F2B, s0  }
0xc0: {  	[sflag:s0] =	ssyncadd.remote.s32 $0x1  }
0xc1: {  	_ =	sfence.sel $0xFFFF  }
0xc2: {  	[dreg:$0x0] =	wrdreg $0xFFFFFFFF;
	(pc) =	sbr.abs _section_cstart, $3  }
0xc3: {  	[dreg:$0x1] =	wrdreg $0xFFFFFFFF  }
0xc4: {  	_ =	task.clear_ibuf [dreg:s9], $0x2FFFF;
	_ =	strace $0x9FFFFFFF  }
0xc5: {  	(tm) =	ssettm $0x7FFFFFFF  }
tec
execute0_lowered:
.L_overlay_start_1:
0x0: {  	(tag) =	ssettag $0x1  }
0x1: {  	s1 =	rddreg [dreg:$0x0]  }
0x2: {  	s9 =	rddreg [dreg:$0x1]  }
0x3: {  	s10 =	rddreg [dreg:$0x2]  }
0x4: {  	s0 =	rddreg [dreg:$0x3];
	s3 =	simm.s32 $0x0  }
0x5: {  	s4 =	srdreg.scid;
	s2 =	stileid.u32;
	s18 =	simm.s32 $0x4  }
0x6: {  	s19 =	simm.s32 $0x1;
	s20 =	simm.s32 $0x2;
	s21 =	simm.s32 $0x3  }
0x7: {  	s22 =	simm.s32 $0x0;
	[smem:$0x7FF] =	sst s3;
	s4 =	sand.u32 $0x1, s4  }
0x8: {  	s5 =	sshrl.u32 s2, $0x2;
	s6 =	sshll.u32 s2, $0x8;
	s12 =	sadd.s32 $0x1000, s10  }
0x9: {  	s15 =	sadd.s32 $0x2000, s10;
	s31 =	sadd.s32 $0x3000, s10;
	s7 =	sshll.u32 s4, $0x7  }
0xa: {  	s6 =	sand.u32 $0x300, s6;
	s8 =	smul.u32 $0xC3800, s5;
	_ =	strace $0x80000047  }
0xb: {  	s4 =	ssub.s32 $0x2, s4;
	s26 =	sshll.u32 s5, $0x11;
	s30 =	sor.u32 $0x4, s5  }
0xc: {  	s11 =	sor.u32 s7, s6;
	s25 =	sshrl.u32 s4, $0x1;
	s13 =	smul.u32 $0xC3800, s30  }
0xd: {  	s16 =	sshll.u32 s30, $0x11;
	s7 =	sor.u32 s8, s11;
	s29 =	sor.u32 s26, s11  }
0xe: {  	s14 =	ssub.s32 s4, s25;
	s28 =	sshrl.u32 s7, $0x3;
	s8 =	sshrl.u32 s29, $0x3  }
0xf: {  	s13 =	sor.u32 s11, s13;
	s11 =	sor.u32 s11, s16;
	s14 =	smax.u32 s14, $0x1  }
0x10: {  	s16 =	simm.s32 $0x400;
	s4 =	sadd.s32 s9, s28;
	s5 =	sadd.s32 s10, s8  }
0x11: {  	s6 =	sadd.s32 s8, s12;
	s7 =	sadd.s32 s8, s15;
	s13 =	sshrl.u32 s13, $0x3  }
0x12: {  	s17 =	sshrl.u32 s11, $0x3;
	s8 =	sadd.s32 s8, s31;
	s9 =	sadd.s32 s9, s13  }
0x13: {  	s10 =	sadd.s32 s10, s17;
	s11 =	sadd.s32 s17, s12;
	s12 =	sadd.s32 s17, s15  }
0x14: {  	s13 =	sadd.s32 s17, s31;
	s15 =	simm.s32 $0x80;
	s17 =	simm.s32 $0x18700  }
.LBB2_1:
0x15: {  	[tilespmem:s3], [sflag:$0x1] =	stream.strided.gather [hbm4b:s4+s15], $0x18700, s16, s15, $0x38;
	[tilespmem:$0x1E700] =	vst v63  }
0x16: {  	_ = 	snop  }
0x17: {  	[tilespmem:s17], [sflag:$0x4] =	stream.linear.gather [hbm4b:s1+s3], $0x4000, $0x38;
	[tilespmem:$0x1E700] =	vst v63  }
0x18: {  	_ =	swait.ge [sflag:s18], $0x4000  }
0x19: {  	[sflag:s18] =	ssyncset.done $0x0  }
0x1a: {  	[sflag:s18] =	ssyncadd.s32 $0xFFFFC000  }
0x1b: {  	_ =	swait.ge [sflag:s19], $0x18700  }
0x1c: {  	[sflag:s19] =	ssyncset.done $0x0  }
0x1d: {  	s23 =	simm.s32 $0x18740;
	[sflag:s19] =	ssyncadd.s32 $0xFFFE7900  }
0x1e: {  	v0 =	vld [tilespmem:s23+$0x30]  }
0x1f: {  	v1 =	vld [tilespmem:s23+$0xFFFFFFD0]  }
0x20: {  	v2 =	vld [tilespmem:s23+$0xFFFFFFE0]  }
0x21: {  	v3 =	vld [tilespmem:s23+$0xFFFFFFF0]  }
0x22: {  	v4 =	vld [tilespmem:s23+$0x0]  }
0x23: {  	v6 =	vld [tilespmem:s23+$0x10]  }
0x24: {  	v7 =	vld [tilespmem:s23+$0x20]  }
0x25: {  	v8 =	vld [tilespmem:s23+$0xFFFFFFC0]  }
0x26: {  	v9 =	vld.idx.msk [tilespmem:v0+s3+$0x0], $0xffff  }
0x27: {  	v10 =	vld.idx.msk [tilespmem:v1+s3+$0x0], $0xffff  }
0x28: {  	v5 =	vld.idx.msk [tilespmem:v2+s3+$0x0], $0xffff  }
0x29: {  	v3 =	vld.idx.msk [tilespmem:v3+s3+$0x0], $0xffff  }
0x2a: {  	v0 =	vld.idx.msk [tilespmem:v4+s3+$0x0], $0xffff  }
0x2b: {  	s23 =	simm.s32 $0x1C740;
	v1 =	vld.idx.msk [tilespmem:v6+s3+$0x0], $0xffff  }
0x2c: {  	v2 =	vld.idx.msk [tilespmem:v7+s3+$0x0], $0xffff;
	[tilespmem:s23+$0x30] =	vst v9  }
0x2d: {  	s24 =	simm.s32 $0x0;
	s25 =	simm.s32 $0x187C0;
	v4 =	vld.idx.msk [tilespmem:v8+s3+$0x0], $0xffff;
	[tilespmem:s23+$0xFFFFFFD0] =	vst v10  }
.LBB2_2:
0x2e: {  	v6 =	vld [tilespmem:s25+$0x30];
	s24 =	sadd.s32 $0x80, s24;
	[tilespmem:s23+$0xFFFFFFE0] =	vst v5  }
0x2f: {  	v5 =	vld [tilespmem:s25+$0xFFFFFFD0];
	p0 =	slt.u32 s24, $0xF80;
	[tilespmem:s23+$0xFFFFFFF0] =	vst v3  }
0x30: {  	v3 =	vld [tilespmem:s25+$0xFFFFFFE0];
	[tilespmem:s23+$0x0] =	vst v0  }
0x31: {  	v0 =	vld [tilespmem:s25+$0xFFFFFFF0];
	[tilespmem:s23+$0x10] =	vst v1  }
0x32: {  	v1 =	vld [tilespmem:s25+$0x0];
	[tilespmem:s23+$0x20] =	vst v2  }
0x33: {  	v2 =	vld [tilespmem:s25+$0x10];
	[tilespmem:s23+$0xFFFFFFC0] =	vst v4  }
0x34: {  	v4 =	vld [tilespmem:s25+$0x20]  }
0x35: {  	v7 =	vld [tilespmem:s25+$0xFFFFFFC0]  }
0x36: {  	v6 =	vld.idx.msk [tilespmem:v6+s3+$0x0], $0xffff  }
0x37: {  	v8 =	vld.idx.msk [tilespmem:v5+s3+$0x0], $0xffff  }
0x38: {  	v5 =	vld.idx.msk [tilespmem:v3+s3+$0x0], $0xffff  }
.Ltmp0:
0x39: {  	v3 =	vld.idx.msk [tilespmem:v0+s3+$0x0], $0xffff;
	(pc) =	sbr.rel @p0 .LBB2_2-.Ltmp0, $4  }
0x3a: {  	v0 =	vld.idx.msk [tilespmem:v1+s3+$0x0], $0xffff  }
0x3b: {  	s23 =	sadd.s32 $0x100, s23;
	v1 =	vld.idx.msk [tilespmem:v2+s3+$0x0], $0xffff  }
0x3c: {  	v2 =	vld.idx.msk [tilespmem:v4+s3+$0x0], $0xffff;
	[tilespmem:s23+$0x30] =	vst v6  }
0x3d: {  	s25 =	sadd.s32 $0x80, s25;
	v4 =	vld.idx.msk [tilespmem:v7+s3+$0x0], $0xffff;
	[tilespmem:s23+$0xFFFFFFD0] =	vst v8  }
0x3e: {  	[tilespmem:s23+$0xFFFFFFE0] =	vst v5  }
0x3f: {  	[tilespmem:s23+$0xFFFFFFF0] =	vst v3  }
0x40: {  	[tilespmem:s23+$0x0] =	vst v0  }
0x41: {  	[tilespmem:s23+$0x10] =	vst v1  }
0x42: {  	[tilespmem:s23+$0x20] =	vst v2  }
0x43: {  	s24 =	simm.s32 $0x1C700;
	[tilespmem:s23+$0xFFFFFFC0] =	vst v4;
	s23 =	simm.s32 $0x0  }
.LBB2_4:
0x44: {  	p0 =	sne.s32 s23, $0xF80  }
.Ltmp1:
0x45: {  	_ = 	snop;
	(pc) =	sbr.rel @p0 .LBB2_4-.Ltmp1, $4  }
0x46: {  	_ = 	snop  }
0x47: {  	s25 =	sadd.s32 s23, s5  }
0x48: {  	[hbm4b:s25+s3] =	stream.linear.scatter [tilespmem:s24], [sflag:$0x2], $0x80, $0x38;
	[tilespmem:$0x1E700] =	vst v63  }
0x49: {  	s23 =	sadd.s32 $0x80, s23;
	s24 =	sadd.s32 $0x100, s24  }
0x4a: {  	s23 =	simm.s32 $0x19770  }
0x4b: {  	v0 =	vld [tilespmem:s23+$0x0]  }
0x4c: {  	v1 =	vld [tilespmem:s23+$0xFFFFFFA0]  }
0x4d: {  	v2 =	vld [tilespmem:s23+$0xFFFFFFB0]  }
0x4e: {  	v3 =	vld [tilespmem:s23+$0xFFFFFFC0]  }
0x4f: {  	v4 =	vld [tilespmem:s23+$0xFFFFFFD0]  }
0x50: {  	v6 =	vld [tilespmem:s23+$0xFFFFFFE0]  }
0x51: {  	v7 =	vld [tilespmem:s23+$0xFFFFFFF0]  }
0x52: {  	v8 =	vld [tilespmem:s23+$0xFFFFFF90]  }
0x53: {  	v9 =	vld.idx.msk [tilespmem:v0+s3+$0x0], $0xffff  }
0x54: {  	v10 =	vld.idx.msk [tilespmem:v1+s3+$0x0], $0xffff  }
0x55: {  	v5 =	vld.idx.msk [tilespmem:v2+s3+$0x0], $0xffff  }
0x56: {  	v3 =	vld.idx.msk [tilespmem:v3+s3+$0x0], $0xffff  }
0x57: {  	v0 =	vld.idx.msk [tilespmem:v4+s3+$0x0], $0xffff  }
0x58: {  	s23 =	simm.s32 $0x1C7F0;
	v1 =	vld.idx.msk [tilespmem:v6+s3+$0x0], $0xffff  }
0x59: {  	v2 =	vld.idx.msk [tilespmem:v7+s3+$0x0], $0xffff;
	[tilespmem:s23+$0x0] =	vst v9  }
0x5a: {  	s24 =	simm.s32 $0x0;
	s25 =	simm.s32 $0x197F0;
	v4 =	vld.idx.msk [tilespmem:v8+s3+$0x0], $0xffff;
	[tilespmem:s23+$0xFFFFFFA0] =	vst v10  }
.LBB2_6:
0x5b: {  	v6 =	vld [tilespmem:s25+$0x0];
	s24 =	sadd.s32 $0x80, s24;
	[tilespmem:s23+$0xFFFFFFB0] =	vst v5  }
0x5c: {  	v5 =	vld [tilespmem:s25+$0xFFFFFFA0];
	p0 =	slt.u32 s24, $0xF80;
	[tilespmem:s23+$0xFFFFFFC0] =	vst v3  }
0x5d: {  	v3 =	vld [tilespmem:s25+$0xFFFFFFB0];
	[tilespmem:s23+$0xFFFFFFD0] =	vst v0  }
0x5e: {  	v0 =	vld [tilespmem:s25+$0xFFFFFFC0];
	[tilespmem:s23+$0xFFFFFFE0] =	vst v1  }
0x5f: {  	v1 =	vld [tilespmem:s25+$0xFFFFFFD0];
	[tilespmem:s23+$0xFFFFFFF0] =	vst v2  }
0x60: {  	v2 =	vld [tilespmem:s25+$0xFFFFFFE0];
	[tilespmem:s23+$0xFFFFFF90] =	vst v4  }
0x61: {  	v4 =	vld [tilespmem:s25+$0xFFFFFFF0]  }
0x62: {  	v7 =	vld [tilespmem:s25+$0xFFFFFF90]  }
0x63: {  	v6 =	vld.idx.msk [tilespmem:v6+s3+$0x0], $0xffff  }
0x64: {  	v8 =	vld.idx.msk [tilespmem:v5+s3+$0x0], $0xffff  }
0x65: {  	v5 =	vld.idx.msk [tilespmem:v3+s3+$0x0], $0xffff  }
.Ltmp2:
0x66: {  	v3 =	vld.idx.msk [tilespmem:v0+s3+$0x0], $0xffff;
	(pc) =	sbr.rel @p0 .LBB2_6-.Ltmp2, $4  }
0x67: {  	v0 =	vld.idx.msk [tilespmem:v1+s3+$0x0], $0xffff  }
0x68: {  	s23 =	sadd.s32 $0x100, s23;
	v1 =	vld.idx.msk [tilespmem:v2+s3+$0x0], $0xffff  }
0x69: {  	v2 =	vld.idx.msk [tilespmem:v4+s3+$0x0], $0xffff;
	[tilespmem:s23+$0x0] =	vst v6  }
0x6a: {  	s25 =	sadd.s32 $0x80, s25;
	v4 =	vld.idx.msk [tilespmem:v7+s3+$0x0], $0xffff;
	[tilespmem:s23+$0xFFFFFFA0] =	vst v8  }
0x6b: {  	[tilespmem:s23+$0xFFFFFFB0] =	vst v5  }
0x6c: {  	[tilespmem:s23+$0xFFFFFFC0] =	vst v3  }
0x6d: {  	[tilespmem:s23+$0xFFFFFFD0] =	vst v0  }
0x6e: {  	[tilespmem:s23+$0xFFFFFFE0] =	vst v1  }
0x6f: {  	s24 =	simm.s32 $0x1C780;
	[tilespmem:s23+$0xFFFFFFF0] =	vst v2  }
0x70: {  	s26 =	sadd.s32 $0x0, s6;
	s25 =	simm.s32 $0x1C880;
	[tilespmem:s23+$0xFFFFFF90] =	vst v4;
	s23 =	simm.s32 $0x80  }
.LBB2_8:
0x71: {  	[hbm4b:s26+s3] =	stream.linear.scatter [tilespmem:s24], [sflag:$0x3], $0x80, $0x38;
	[tilespmem:$0x1E700] =	vst v63  }
0x72: {  	s26 =	smov.u32 s23;
	s24 =	smov.u32 s25;
	p0 =	sne.s32 s23, $0xF80  }
.Ltmp3:
0x73: {  	s23 =	sadd.s32 $0x80, s23;
	(pc) =	sbr.rel @p0 .LBB2_8-.Ltmp3, $2  }
0x74: {  	_ =	sdelay $0x2  }
0x75: {  	s25 =	sadd.s32 $0x100, s25;
	s26 =	sadd.s32 s26, s6  }
0x76: {  	[hbm4b:s26+s3] =	stream.linear.scatter [tilespmem:s24], [sflag:$0x3], $0x80, $0x38;
	[tilespmem:$0x1E700] =	vst v63  }
0x77: {  	_ =	swait.ge [sflag:s20], $0x1000  }
0x78: {  	[sflag:s20] =	ssyncset.done $0x0  }
0x79: {  	s23 =	simm.s32 $0x1A770;
	[sflag:s20] =	ssyncadd.s32 $0xFFFFF000  }
0x7a: {  	v0 =	vld [tilespmem:s23+$0x0]  }
0x7b: {  	v1 =	vld [tilespmem:s23+$0xFFFFFFA0]  }
0x7c: {  	v2 =	vld [tilespmem:s23+$0xFFFFFFB0]  }
0x7d: {  	v3 =	vld [tilespmem:s23+$0xFFFFFFC0]  }
0x7e: {  	v4 =	vld [tilespmem:s23+$0xFFFFFFD0]  }
0x7f: {  	v6 =	vld [tilespmem:s23+$0xFFFFFFE0]  }
0x80: {  	v7 =	vld [tilespmem:s23+$0xFFFFFFF0]  }
0x81: {  	v8 =	vld [tilespmem:s23+$0xFFFFFF90]  }
0x82: {  	v9 =	vld.idx.msk [tilespmem:v0+s3+$0x0], $0xffff  }
0x83: {  	v10 =	vld.idx.msk [tilespmem:v1+s3+$0x0], $0xffff  }
0x84: {  	v5 =	vld.idx.msk [tilespmem:v2+s3+$0x0], $0xffff  }
0x85: {  	v3 =	vld.idx.msk [tilespmem:v3+s3+$0x0], $0xffff  }
0x86: {  	v0 =	vld.idx.msk [tilespmem:v4+s3+$0x0], $0xffff  }
0x87: {  	s23 =	simm.s32 $0x1C740;
	v1 =	vld.idx.msk [tilespmem:v6+s3+$0x0], $0xffff  }
0x88: {  	v2 =	vld.idx.msk [tilespmem:v7+s3+$0x0], $0xffff;
	[tilespmem:s23+$0x30] =	vst v9  }
0x89: {  	s24 =	simm.s32 $0x0;
	s25 =	simm.s32 $0x1A7F0;
	v4 =	vld.idx.msk [tilespmem:v8+s3+$0x0], $0xffff;
	[tilespmem:s23+$0xFFFFFFD0] =	vst v10  }
.LBB2_10:
0x8a: {  	v6 =	vld [tilespmem:s25+$0x0];
	s24 =	sadd.s32 $0x80, s24;
	[tilespmem:s23+$0xFFFFFFE0] =	vst v5  }
0x8b: {  	v5 =	vld [tilespmem:s25+$0xFFFFFFA0];
	p0 =	slt.u32 s24, $0xF80;
	[tilespmem:s23+$0xFFFFFFF0] =	vst v3  }
0x8c: {  	v3 =	vld [tilespmem:s25+$0xFFFFFFB0];
	[tilespmem:s23+$0x0] =	vst v0  }
0x8d: {  	v0 =	vld [tilespmem:s25+$0xFFFFFFC0];
	[tilespmem:s23+$0x10] =	vst v1  }
0x8e: {  	v1 =	vld [tilespmem:s25+$0xFFFFFFD0];
	[tilespmem:s23+$0x20] =	vst v2  }
0x8f: {  	v2 =	vld [tilespmem:s25+$0xFFFFFFE0];
	[tilespmem:s23+$0xFFFFFFC0] =	vst v4  }
0x90: {  	v4 =	vld [tilespmem:s25+$0xFFFFFFF0]  }
0x91: {  	v7 =	vld [tilespmem:s25+$0xFFFFFF90]  }
0x92: {  	v6 =	vld.idx.msk [tilespmem:v6+s3+$0x0], $0xffff  }
0x93: {  	v8 =	vld.idx.msk [tilespmem:v5+s3+$0x0], $0xffff  }
0x94: {  	v5 =	vld.idx.msk [tilespmem:v3+s3+$0x0], $0xffff  }
.Ltmp4:
0x95: {  	v3 =	vld.idx.msk [tilespmem:v0+s3+$0x0], $0xffff;
	(pc) =	sbr.rel @p0 .LBB2_10-.Ltmp4, $4  }
0x96: {  	v0 =	vld.idx.msk [tilespmem:v1+s3+$0x0], $0xffff  }
0x97: {  	s23 =	sadd.s32 $0x100, s23;
	v1 =	vld.idx.msk [tilespmem:v2+s3+$0x0], $0xffff  }
0x98: {  	v2 =	vld.idx.msk [tilespmem:v4+s3+$0x0], $0xffff;
	[tilespmem:s23+$0x30] =	vst v6  }
0x99: {  	s25 =	sadd.s32 $0x80, s25;
	v4 =	vld.idx.msk [tilespmem:v7+s3+$0x0], $0xffff;
	[tilespmem:s23+$0xFFFFFFD0] =	vst v8  }
0x9a: {  	[tilespmem:s23+$0xFFFFFFE0] =	vst v5  }
0x9b: {  	[tilespmem:s23+$0xFFFFFFF0] =	vst v3  }
0x9c: {  	[tilespmem:s23+$0x0] =	vst v0  }
0x9d: {  	[tilespmem:s23+$0x10] =	vst v1  }
0x9e: {  	s24 =	simm.s32 $0x1C700;
	[tilespmem:s23+$0x20] =	vst v2  }
0x9f: {  	s26 =	sadd.s32 $0x0, s7;
	s25 =	simm.s32 $0x1C800;
	[tilespmem:s23+$0xFFFFFFC0] =	vst v4;
	s23 =	simm.s32 $0x80  }
.LBB2_12:
0xa0: {  	[hbm4b:s26+s3] =	stream.linear.scatter [tilespmem:s24], [sflag:$0x2], $0x80, $0x38;
	[tilespmem:$0x1E700] =	vst v63  }
0xa1: {  	s26 =	smov.u32 s23;
	s24 =	smov.u32 s25;
	p0 =	sne.s32 s23, $0xF80  }
.Ltmp5:
0xa2: {  	s23 =	sadd.s32 $0x80, s23;
	(pc) =	sbr.rel @p0 .LBB2_12-.Ltmp5, $2  }
0xa3: {  	_ =	sdelay $0x2  }
0xa4: {  	s25 =	sadd.s32 $0x100, s25;
	s26 =	sadd.s32 s26, s7  }
0xa5: {  	[hbm4b:s26+s3] =	stream.linear.scatter [tilespmem:s24], [sflag:$0x2], $0x80, $0x38;
	[tilespmem:$0x1E700] =	vst v63  }
0xa6: {  	_ =	swait.ge [sflag:s21], $0x1000  }
0xa7: {  	[sflag:s21] =	ssyncset.done $0x0  }
0xa8: {  	s23 =	simm.s32 $0x1B770;
	[sflag:s21] =	ssyncadd.s32 $0xFFFFF000  }
0xa9: {  	v0 =	vld [tilespmem:s23+$0x0]  }
0xaa: {  	v1 =	vld [tilespmem:s23+$0xFFFFFFA0]  }
0xab: {  	v2 =	vld [tilespmem:s23+$0xFFFFFFB0]  }
0xac: {  	v3 =	vld [tilespmem:s23+$0xFFFFFFC0]  }
0xad: {  	v4 =	vld [tilespmem:s23+$0xFFFFFFD0]  }
0xae: {  	v6 =	vld [tilespmem:s23+$0xFFFFFFE0]  }
0xaf: {  	v7 =	vld [tilespmem:s23+$0xFFFFFFF0]  }
0xb0: {  	v8 =	vld [tilespmem:s23+$0xFFFFFF90]  }
0xb1: {  	v9 =	vld.idx.msk [tilespmem:v0+s3+$0x0], $0xffff  }
0xb2: {  	v10 =	vld.idx.msk [tilespmem:v1+s3+$0x0], $0xffff  }
0xb3: {  	v5 =	vld.idx.msk [tilespmem:v2+s3+$0x0], $0xffff  }
0xb4: {  	v3 =	vld.idx.msk [tilespmem:v3+s3+$0x0], $0xffff  }
0xb5: {  	v0 =	vld.idx.msk [tilespmem:v4+s3+$0x0], $0xffff  }
0xb6: {  	s23 =	simm.s32 $0x1C7F0;
	v1 =	vld.idx.msk [tilespmem:v6+s3+$0x0], $0xffff  }
0xb7: {  	v2 =	vld.idx.msk [tilespmem:v7+s3+$0x0], $0xffff;
	[tilespmem:s23+$0x0] =	vst v9  }
0xb8: {  	s24 =	simm.s32 $0x0;
	s25 =	simm.s32 $0x1B7F0;
	v4 =	vld.idx.msk [tilespmem:v8+s3+$0x0], $0xffff;
	[tilespmem:s23+$0xFFFFFFA0] =	vst v10  }
.LBB2_14:
0xb9: {  	v6 =	vld [tilespmem:s25+$0x0];
	s24 =	sadd.s32 $0x80, s24;
	[tilespmem:s23+$0xFFFFFFB0] =	vst v5  }
0xba: {  	v5 =	vld [tilespmem:s25+$0xFFFFFFA0];
	p0 =	slt.u32 s24, $0xF80;
	[tilespmem:s23+$0xFFFFFFC0] =	vst v3  }
0xbb: {  	v3 =	vld [tilespmem:s25+$0xFFFFFFB0];
	[tilespmem:s23+$0xFFFFFFD0] =	vst v0  }
0xbc: {  	v0 =	vld [tilespmem:s25+$0xFFFFFFC0];
	[tilespmem:s23+$0xFFFFFFE0] =	vst v1  }
0xbd: {  	v1 =	vld [tilespmem:s25+$0xFFFFFFD0];
	[tilespmem:s23+$0xFFFFFFF0] =	vst v2  }
0xbe: {  	v2 =	vld [tilespmem:s25+$0xFFFFFFE0];
	[tilespmem:s23+$0xFFFFFF90] =	vst v4  }
0xbf: {  	v4 =	vld [tilespmem:s25+$0xFFFFFFF0]  }
0xc0: {  	v7 =	vld [tilespmem:s25+$0xFFFFFF90]  }
0xc1: {  	v6 =	vld.idx.msk [tilespmem:v6+s3+$0x0], $0xffff  }
0xc2: {  	v8 =	vld.idx.msk [tilespmem:v5+s3+$0x0], $0xffff  }
0xc3: {  	v5 =	vld.idx.msk [tilespmem:v3+s3+$0x0], $0xffff  }
.Ltmp6:
0xc4: {  	v3 =	vld.idx.msk [tilespmem:v0+s3+$0x0], $0xffff;
	(pc) =	sbr.rel @p0 .LBB2_14-.Ltmp6, $4  }
0xc5: {  	v0 =	vld.idx.msk [tilespmem:v1+s3+$0x0], $0xffff  }
0xc6: {  	s23 =	sadd.s32 $0x100, s23;
	v1 =	vld.idx.msk [tilespmem:v2+s3+$0x0], $0xffff  }
0xc7: {  	v2 =	vld.idx.msk [tilespmem:v4+s3+$0x0], $0xffff;
	[tilespmem:s23+$0x0] =	vst v6  }
0xc8: {  	s25 =	sadd.s32 $0x80, s25;
	v4 =	vld.idx.msk [tilespmem:v7+s3+$0x0], $0xffff;
	[tilespmem:s23+$0xFFFFFFA0] =	vst v8  }
0xc9: {  	[tilespmem:s23+$0xFFFFFFB0] =	vst v5  }
0xca: {  	[tilespmem:s23+$0xFFFFFFC0] =	vst v3  }
0xcb: {  	[tilespmem:s23+$0xFFFFFFD0] =	vst v0  }
0xcc: {  	[tilespmem:s23+$0xFFFFFFE0] =	vst v1  }
0xcd: {  	s24 =	simm.s32 $0x1C780;
	[tilespmem:s23+$0xFFFFFFF0] =	vst v2  }
0xce: {  	s26 =	sadd.s32 $0x0, s8;
	s25 =	simm.s32 $0x1C880;
	[tilespmem:s23+$0xFFFFFF90] =	vst v4;
	s23 =	simm.s32 $0x80  }
.LBB2_16:
0xcf: {  	[hbm4b:s26+s3] =	stream.linear.scatter [tilespmem:s24], [sflag:$0x3], $0x80, $0x38;
	[tilespmem:$0x1E700] =	vst v63  }
0xd0: {  	s26 =	smov.u32 s23;
	s24 =	smov.u32 s25;
	p0 =	sne.s32 s23, $0xF80  }
.Ltmp7:
0xd1: {  	s23 =	sadd.s32 $0x80, s23;
	(pc) =	sbr.rel @p0 .LBB2_16-.Ltmp7, $2  }
0xd2: {  	_ =	sdelay $0x2  }
0xd3: {  	s25 =	sadd.s32 $0x100, s25;
	s26 =	sadd.s32 s26, s8  }
0xd4: {  	[hbm4b:s26+s3] =	stream.linear.scatter [tilespmem:s24], [sflag:$0x3], $0x80, $0x38;
	[tilespmem:$0x1E700] =	vst v63  }
0xd5: {  	_ =	swait.ge [sflag:s20], $0x1000  }
0xd6: {  	[sflag:s20] =	ssyncset.done $0x0  }
0xd7: {  	[sflag:s20] =	ssyncadd.s32 $0xFFFFF000  }
0xd8: {  	_ =	swait.ge [sflag:s21], $0x1000  }
0xd9: {  	[sflag:s21] =	ssyncset.done $0x0  }
0xda: {  	[sflag:s21] =	ssyncadd.s32 $0xFFFFF000  }
0xdb: {  	[tilespmem:s3], [sflag:$0x1] =	stream.strided.gather [hbm4b:s9+s15], $0x18700, s16, s15, $0x38;
	[tilespmem:$0x1E700] =	vst v63  }
0xdc: {  	_ =	swait.ge [sflag:s19], $0x18700  }
0xdd: {  	[sflag:s19] =	ssyncset.done $0x0  }
0xde: {  	s23 =	simm.s32 $0x18740;
	[sflag:s19] =	ssyncadd.s32 $0xFFFE7900  }
0xdf: {  	v0 =	vld [tilespmem:s23+$0x30]  }
0xe0: {  	v1 =	vld [tilespmem:s23+$0xFFFFFFD0]  }
0xe1: {  	v2 =	vld [tilespmem:s23+$0xFFFFFFE0]  }
0xe2: {  	v3 =	vld [tilespmem:s23+$0xFFFFFFF0]  }
0xe3: {  	v4 =	vld [tilespmem:s23+$0x0]  }
0xe4: {  	v6 =	vld [tilespmem:s23+$0x10]  }
0xe5: {  	v7 =	vld [tilespmem:s23+$0x20]  }
0xe6: {  	v8 =	vld [tilespmem:s23+$0xFFFFFFC0]  }
0xe7: {  	v9 =	vld.idx.msk [tilespmem:v0+s3+$0x0], $0xffff  }
0xe8: {  	v10 =	vld.idx.msk [tilespmem:v1+s3+$0x0], $0xffff  }
0xe9: {  	v5 =	vld.idx.msk [tilespmem:v2+s3+$0x0], $0xffff  }
0xea: {  	v3 =	vld.idx.msk [tilespmem:v3+s3+$0x0], $0xffff  }
0xeb: {  	v0 =	vld.idx.msk [tilespmem:v4+s3+$0x0], $0xffff  }
0xec: {  	s23 =	simm.s32 $0x1C740;
	v1 =	vld.idx.msk [tilespmem:v6+s3+$0x0], $0xffff  }
0xed: {  	v2 =	vld.idx.msk [tilespmem:v7+s3+$0x0], $0xffff;
	[tilespmem:s23+$0x30] =	vst v9  }
0xee: {  	s24 =	simm.s32 $0x0;
	s25 =	simm.s32 $0x187C0;
	v4 =	vld.idx.msk [tilespmem:v8+s3+$0x0], $0xffff;
	[tilespmem:s23+$0xFFFFFFD0] =	vst v10  }
.LBB2_18:
0xef: {  	v6 =	vld [tilespmem:s25+$0x30];
	s24 =	sadd.s32 $0x80, s24;
	[tilespmem:s23+$0xFFFFFFE0] =	vst v5  }
0xf0: {  	v5 =	vld [tilespmem:s25+$0xFFFFFFD0];
	p0 =	slt.u32 s24, $0xF80;
	[tilespmem:s23+$0xFFFFFFF0] =	vst v3  }
0xf1: {  	v3 =	vld [tilespmem:s25+$0xFFFFFFE0];
	[tilespmem:s23+$0x0] =	vst v0  }
0xf2: {  	v0 =	vld [tilespmem:s25+$0xFFFFFFF0];
	[tilespmem:s23+$0x10] =	vst v1  }
0xf3: {  	v1 =	vld [tilespmem:s25+$0x0];
	[tilespmem:s23+$0x20] =	vst v2  }
0xf4: {  	v2 =	vld [tilespmem:s25+$0x10];
	[tilespmem:s23+$0xFFFFFFC0] =	vst v4  }
0xf5: {  	v4 =	vld [tilespmem:s25+$0x20]  }
0xf6: {  	v7 =	vld [tilespmem:s25+$0xFFFFFFC0]  }
0xf7: {  	v6 =	vld.idx.msk [tilespmem:v6+s3+$0x0], $0xffff  }
0xf8: {  	v8 =	vld.idx.msk [tilespmem:v5+s3+$0x0], $0xffff  }
0xf9: {  	v5 =	vld.idx.msk [tilespmem:v3+s3+$0x0], $0xffff  }
.Ltmp8:
0xfa: {  	v3 =	vld.idx.msk [tilespmem:v0+s3+$0x0], $0xffff;
	(pc) =	sbr.rel @p0 .LBB2_18-.Ltmp8, $4  }
0xfb: {  	v0 =	vld.idx.msk [tilespmem:v1+s3+$0x0], $0xffff  }
0xfc: {  	s23 =	sadd.s32 $0x100, s23;
	v1 =	vld.idx.msk [tilespmem:v2+s3+$0x0], $0xffff  }
0xfd: {  	v2 =	vld.idx.msk [tilespmem:v4+s3+$0x0], $0xffff;
	[tilespmem:s23+$0x30] =	vst v6  }
0xfe: {  	s25 =	sadd.s32 $0x80, s25;
	v4 =	vld.idx.msk [tilespmem:v7+s3+$0x0], $0xffff;
	[tilespmem:s23+$0xFFFFFFD0] =	vst v8  }
0xff: {  	[tilespmem:s23+$0xFFFFFFE0] =	vst v5  }
0x100: {  	[tilespmem:s23+$0xFFFFFFF0] =	vst v3  }
0x101: {  	[tilespmem:s23+$0x0] =	vst v0  }
0x102: {  	[tilespmem:s23+$0x10] =	vst v1  }
0x103: {  	[tilespmem:s23+$0x20] =	vst v2  }
0x104: {  	s24 =	simm.s32 $0x1C700;
	[tilespmem:s23+$0xFFFFFFC0] =	vst v4;
	s23 =	simm.s32 $0x0  }
.LBB2_20:
0x105: {  	p0 =	sne.s32 s23, $0xF80  }
.Ltmp9:
0x106: {  	_ = 	snop;
	(pc) =	sbr.rel @p0 .LBB2_20-.Ltmp9, $4  }
0x107: {  	_ = 	snop  }
0x108: {  	s25 =	sadd.s32 s23, s10  }
0x109: {  	[hbm4b:s25+s3] =	stream.linear.scatter [tilespmem:s24], [sflag:$0x2], $0x80, $0x38;
	[tilespmem:$0x1E700] =	vst v63  }
0x10a: {  	s23 =	sadd.s32 $0x80, s23;
	s24 =	sadd.s32 $0x100, s24  }
0x10b: {  	s23 =	simm.s32 $0x19770  }
0x10c: {  	v0 =	vld [tilespmem:s23+$0x0]  }
0x10d: {  	v1 =	vld [tilespmem:s23+$0xFFFFFFA0]  }
0x10e: {  	v2 =	vld [tilespmem:s23+$0xFFFFFFB0]  }
0x10f: {  	v3 =	vld [tilespmem:s23+$0xFFFFFFC0]  }
0x110: {  	v4 =	vld [tilespmem:s23+$0xFFFFFFD0]  }
0x111: {  	v6 =	vld [tilespmem:s23+$0xFFFFFFE0]  }
0x112: {  	v7 =	vld [tilespmem:s23+$0xFFFFFFF0]  }
0x113: {  	v8 =	vld [tilespmem:s23+$0xFFFFFF90]  }
0x114: {  	v9 =	vld.idx.msk [tilespmem:v0+s3+$0x0], $0xffff  }
0x115: {  	v10 =	vld.idx.msk [tilespmem:v1+s3+$0x0], $0xffff  }
0x116: {  	v5 =	vld.idx.msk [tilespmem:v2+s3+$0x0], $0xffff  }
0x117: {  	v3 =	vld.idx.msk [tilespmem:v3+s3+$0x0], $0xffff  }
0x118: {  	v0 =	vld.idx.msk [tilespmem:v4+s3+$0x0], $0xffff  }
0x119: {  	s23 =	simm.s32 $0x1C7F0;
	v1 =	vld.idx.msk [tilespmem:v6+s3+$0x0], $0xffff  }
0x11a: {  	v2 =	vld.idx.msk [tilespmem:v7+s3+$0x0], $0xffff;
	[tilespmem:s23+$0x0] =	vst v9  }
0x11b: {  	s24 =	simm.s32 $0x0;
	s25 =	simm.s32 $0x197F0;
	v4 =	vld.idx.msk [tilespmem:v8+s3+$0x0], $0xffff;
	[tilespmem:s23+$0xFFFFFFA0] =	vst v10  }
.LBB2_22:
0x11c: {  	v6 =	vld [tilespmem:s25+$0x0];
	s24 =	sadd.s32 $0x80, s24;
	[tilespmem:s23+$0xFFFFFFB0] =	vst v5  }
0x11d: {  	v5 =	vld [tilespmem:s25+$0xFFFFFFA0];
	p0 =	slt.u32 s24, $0xF80;
	[tilespmem:s23+$0xFFFFFFC0] =	vst v3  }
0x11e: {  	v3 =	vld [tilespmem:s25+$0xFFFFFFB0];
	[tilespmem:s23+$0xFFFFFFD0] =	vst v0  }
0x11f: {  	v0 =	vld [tilespmem:s25+$0xFFFFFFC0];
	[tilespmem:s23+$0xFFFFFFE0] =	vst v1  }
0x120: {  	v1 =	vld [tilespmem:s25+$0xFFFFFFD0];
	[tilespmem:s23+$0xFFFFFFF0] =	vst v2  }
0x121: {  	v2 =	vld [tilespmem:s25+$0xFFFFFFE0];
	[tilespmem:s23+$0xFFFFFF90] =	vst v4  }
0x122: {  	v4 =	vld [tilespmem:s25+$0xFFFFFFF0]  }
0x123: {  	v7 =	vld [tilespmem:s25+$0xFFFFFF90]  }
0x124: {  	v6 =	vld.idx.msk [tilespmem:v6+s3+$0x0], $0xffff  }
0x125: {  	v8 =	vld.idx.msk [tilespmem:v5+s3+$0x0], $0xffff  }
0x126: {  	v5 =	vld.idx.msk [tilespmem:v3+s3+$0x0], $0xffff  }
.Ltmp10:
0x127: {  	v3 =	vld.idx.msk [tilespmem:v0+s3+$0x0], $0xffff;
	(pc) =	sbr.rel @p0 .LBB2_22-.Ltmp10, $4  }
0x128: {  	v0 =	vld.idx.msk [tilespmem:v1+s3+$0x0], $0xffff  }
0x129: {  	s23 =	sadd.s32 $0x100, s23;
	v1 =	vld.idx.msk [tilespmem:v2+s3+$0x0], $0xffff  }
0x12a: {  	v2 =	vld.idx.msk [tilespmem:v4+s3+$0x0], $0xffff;
	[tilespmem:s23+$0x0] =	vst v6  }
0x12b: {  	s25 =	sadd.s32 $0x80, s25;
	v4 =	vld.idx.msk [tilespmem:v7+s3+$0x0], $0xffff;
	[tilespmem:s23+$0xFFFFFFA0] =	vst v8  }
0x12c: {  	[tilespmem:s23+$0xFFFFFFB0] =	vst v5  }
0x12d: {  	[tilespmem:s23+$0xFFFFFFC0] =	vst v3  }
0x12e: {  	[tilespmem:s23+$0xFFFFFFD0] =	vst v0  }
0x12f: {  	[tilespmem:s23+$0xFFFFFFE0] =	vst v1  }
0x130: {  	s24 =	simm.s32 $0x1C780;
	[tilespmem:s23+$0xFFFFFFF0] =	vst v2  }
0x131: {  	s26 =	sadd.s32 $0x0, s11;
	s25 =	simm.s32 $0x1C880;
	[tilespmem:s23+$0xFFFFFF90] =	vst v4;
	s23 =	simm.s32 $0x80  }
.LBB2_24:
0x132: {  	[hbm4b:s26+s3] =	stream.linear.scatter [tilespmem:s24], [sflag:$0x3], $0x80, $0x38;
	[tilespmem:$0x1E700] =	vst v63  }
0x133: {  	s26 =	smov.u32 s23;
	s24 =	smov.u32 s25;
	p0 =	sne.s32 s23, $0xF80  }
.Ltmp11:
0x134: {  	s23 =	sadd.s32 $0x80, s23;
	(pc) =	sbr.rel @p0 .LBB2_24-.Ltmp11, $2  }
0x135: {  	_ =	sdelay $0x2  }
0x136: {  	s25 =	sadd.s32 $0x100, s25;
	s26 =	sadd.s32 s26, s11  }
0x137: {  	[hbm4b:s26+s3] =	stream.linear.scatter [tilespmem:s24], [sflag:$0x3], $0x80, $0x38;
	[tilespmem:$0x1E700] =	vst v63  }
0x138: {  	_ =	swait.ge [sflag:s20], $0x1000  }
0x139: {  	[sflag:s20] =	ssyncset.done $0x0  }
0x13a: {  	s23 =	simm.s32 $0x1A770;
	[sflag:s20] =	ssyncadd.s32 $0xFFFFF000  }
0x13b: {  	v0 =	vld [tilespmem:s23+$0x0]  }
0x13c: {  	v1 =	vld [tilespmem:s23+$0xFFFFFFA0]  }
0x13d: {  	v2 =	vld [tilespmem:s23+$0xFFFFFFB0]  }
0x13e: {  	v3 =	vld [tilespmem:s23+$0xFFFFFFC0]  }
0x13f: {  	v4 =	vld [tilespmem:s23+$0xFFFFFFD0]  }
0x140: {  	v6 =	vld [tilespmem:s23+$0xFFFFFFE0]  }
0x141: {  	v7 =	vld [tilespmem:s23+$0xFFFFFFF0]  }
0x142: {  	v8 =	vld [tilespmem:s23+$0xFFFFFF90]  }
0x143: {  	v9 =	vld.idx.msk [tilespmem:v0+s3+$0x0], $0xffff  }
0x144: {  	v10 =	vld.idx.msk [tilespmem:v1+s3+$0x0], $0xffff  }
0x145: {  	v5 =	vld.idx.msk [tilespmem:v2+s3+$0x0], $0xffff  }
0x146: {  	v3 =	vld.idx.msk [tilespmem:v3+s3+$0x0], $0xffff  }
0x147: {  	v0 =	vld.idx.msk [tilespmem:v4+s3+$0x0], $0xffff  }
0x148: {  	s23 =	simm.s32 $0x1C740;
	v1 =	vld.idx.msk [tilespmem:v6+s3+$0x0], $0xffff  }
0x149: {  	v2 =	vld.idx.msk [tilespmem:v7+s3+$0x0], $0xffff;
	[tilespmem:s23+$0x30] =	vst v9  }
0x14a: {  	s24 =	simm.s32 $0x0;
	s25 =	simm.s32 $0x1A7F0;
	v4 =	vld.idx.msk [tilespmem:v8+s3+$0x0], $0xffff;
	[tilespmem:s23+$0xFFFFFFD0] =	vst v10  }
.LBB2_26:
0x14b: {  	v6 =	vld [tilespmem:s25+$0x0];
	s24 =	sadd.s32 $0x80, s24;
	[tilespmem:s23+$0xFFFFFFE0] =	vst v5  }
0x14c: {  	v5 =	vld [tilespmem:s25+$0xFFFFFFA0];
	p0 =	slt.u32 s24, $0xF80;
	[tilespmem:s23+$0xFFFFFFF0] =	vst v3  }
0x14d: {  	v3 =	vld [tilespmem:s25+$0xFFFFFFB0];
	[tilespmem:s23+$0x0] =	vst v0  }
0x14e: {  	v0 =	vld [tilespmem:s25+$0xFFFFFFC0];
	[tilespmem:s23+$0x10] =	vst v1  }
0x14f: {  	v1 =	vld [tilespmem:s25+$0xFFFFFFD0];
	[tilespmem:s23+$0x20] =	vst v2  }
0x150: {  	v2 =	vld [tilespmem:s25+$0xFFFFFFE0];
	[tilespmem:s23+$0xFFFFFFC0] =	vst v4  }
0x151: {  	v4 =	vld [tilespmem:s25+$0xFFFFFFF0]  }
0x152: {  	v7 =	vld [tilespmem:s25+$0xFFFFFF90]  }
0x153: {  	v6 =	vld.idx.msk [tilespmem:v6+s3+$0x0], $0xffff  }
0x154: {  	v8 =	vld.idx.msk [tilespmem:v5+s3+$0x0], $0xffff  }
0x155: {  	v5 =	vld.idx.msk [tilespmem:v3+s3+$0x0], $0xffff  }
.Ltmp12:
0x156: {  	v3 =	vld.idx.msk [tilespmem:v0+s3+$0x0], $0xffff;
	(pc) =	sbr.rel @p0 .LBB2_26-.Ltmp12, $4  }
0x157: {  	v0 =	vld.idx.msk [tilespmem:v1+s3+$0x0], $0xffff  }
0x158: {  	s23 =	sadd.s32 $0x100, s23;
	v1 =	vld.idx.msk [tilespmem:v2+s3+$0x0], $0xffff  }
0x159: {  	v2 =	vld.idx.msk [tilespmem:v4+s3+$0x0], $0xffff;
	[tilespmem:s23+$0x30] =	vst v6  }
0x15a: {  	s25 =	sadd.s32 $0x80, s25;
	v4 =	vld.idx.msk [tilespmem:v7+s3+$0x0], $0xffff;
	[tilespmem:s23+$0xFFFFFFD0] =	vst v8  }
0x15b: {  	[tilespmem:s23+$0xFFFFFFE0] =	vst v5  }
0x15c: {  	[tilespmem:s23+$0xFFFFFFF0] =	vst v3  }
0x15d: {  	[tilespmem:s23+$0x0] =	vst v0  }
0x15e: {  	[tilespmem:s23+$0x10] =	vst v1  }
0x15f: {  	s24 =	simm.s32 $0x1C700;
	[tilespmem:s23+$0x20] =	vst v2  }
0x160: {  	s26 =	sadd.s32 $0x0, s12;
	s25 =	simm.s32 $0x1C800;
	[tilespmem:s23+$0xFFFFFFC0] =	vst v4;
	s23 =	simm.s32 $0x80  }
.LBB2_28:
0x161: {  	[hbm4b:s26+s3] =	stream.linear.scatter [tilespmem:s24], [sflag:$0x2], $0x80, $0x38;
	[tilespmem:$0x1E700] =	vst v63  }
0x162: {  	s26 =	smov.u32 s23;
	s24 =	smov.u32 s25;
	p0 =	sne.s32 s23, $0xF80  }
.Ltmp13:
0x163: {  	s23 =	sadd.s32 $0x80, s23;
	(pc) =	sbr.rel @p0 .LBB2_28-.Ltmp13, $2  }
0x164: {  	_ =	sdelay $0x2  }
0x165: {  	s25 =	sadd.s32 $0x100, s25;
	s26 =	sadd.s32 s26, s12  }
0x166: {  	[hbm4b:s26+s3] =	stream.linear.scatter [tilespmem:s24], [sflag:$0x2], $0x80, $0x38;
	[tilespmem:$0x1E700] =	vst v63  }
0x167: {  	_ =	swait.ge [sflag:s21], $0x1000  }
0x168: {  	[sflag:s21] =	ssyncset.done $0x0  }
0x169: {  	s23 =	simm.s32 $0x1B770;
	[sflag:s21] =	ssyncadd.s32 $0xFFFFF000  }
0x16a: {  	v0 =	vld [tilespmem:s23+$0x0]  }
0x16b: {  	v1 =	vld [tilespmem:s23+$0xFFFFFFA0]  }
0x16c: {  	v2 =	vld [tilespmem:s23+$0xFFFFFFB0]  }
0x16d: {  	v3 =	vld [tilespmem:s23+$0xFFFFFFC0]  }
0x16e: {  	v4 =	vld [tilespmem:s23+$0xFFFFFFD0]  }
0x16f: {  	v6 =	vld [tilespmem:s23+$0xFFFFFFE0]  }
0x170: {  	v7 =	vld [tilespmem:s23+$0xFFFFFFF0]  }
0x171: {  	v8 =	vld [tilespmem:s23+$0xFFFFFF90]  }
0x172: {  	v9 =	vld.idx.msk [tilespmem:v0+s3+$0x0], $0xffff  }
0x173: {  	v10 =	vld.idx.msk [tilespmem:v1+s3+$0x0], $0xffff  }
0x174: {  	v5 =	vld.idx.msk [tilespmem:v2+s3+$0x0], $0xffff  }
0x175: {  	v3 =	vld.idx.msk [tilespmem:v3+s3+$0x0], $0xffff  }
0x176: {  	v0 =	vld.idx.msk [tilespmem:v4+s3+$0x0], $0xffff  }
0x177: {  	s23 =	simm.s32 $0x1C7F0;
	v1 =	vld.idx.msk [tilespmem:v6+s3+$0x0], $0xffff  }
0x178: {  	v2 =	vld.idx.msk [tilespmem:v7+s3+$0x0], $0xffff;
	[tilespmem:s23+$0x0] =	vst v9  }
0x179: {  	s24 =	simm.s32 $0x0;
	s25 =	simm.s32 $0x1B7F0;
	v4 =	vld.idx.msk [tilespmem:v8+s3+$0x0], $0xffff;
	[tilespmem:s23+$0xFFFFFFA0] =	vst v10  }
.LBB2_30:
0x17a: {  	v6 =	vld [tilespmem:s25+$0x0];
	s24 =	sadd.s32 $0x80, s24;
	[tilespmem:s23+$0xFFFFFFB0] =	vst v5  }
0x17b: {  	v5 =	vld [tilespmem:s25+$0xFFFFFFA0];
	p0 =	slt.u32 s24, $0xF80;
	[tilespmem:s23+$0xFFFFFFC0] =	vst v3  }
0x17c: {  	v3 =	vld [tilespmem:s25+$0xFFFFFFB0];
	[tilespmem:s23+$0xFFFFFFD0] =	vst v0  }
0x17d: {  	v0 =	vld [tilespmem:s25+$0xFFFFFFC0];
	[tilespmem:s23+$0xFFFFFFE0] =	vst v1  }
0x17e: {  	v1 =	vld [tilespmem:s25+$0xFFFFFFD0];
	[tilespmem:s23+$0xFFFFFFF0] =	vst v2  }
0x17f: {  	v2 =	vld [tilespmem:s25+$0xFFFFFFE0];
	[tilespmem:s23+$0xFFFFFF90] =	vst v4  }
0x180: {  	v4 =	vld [tilespmem:s25+$0xFFFFFFF0]  }
0x181: {  	v7 =	vld [tilespmem:s25+$0xFFFFFF90]  }
0x182: {  	v6 =	vld.idx.msk [tilespmem:v6+s3+$0x0], $0xffff  }
0x183: {  	v8 =	vld.idx.msk [tilespmem:v5+s3+$0x0], $0xffff  }
0x184: {  	v5 =	vld.idx.msk [tilespmem:v3+s3+$0x0], $0xffff  }
.Ltmp14:
0x185: {  	v3 =	vld.idx.msk [tilespmem:v0+s3+$0x0], $0xffff;
	(pc) =	sbr.rel @p0 .LBB2_30-.Ltmp14, $4  }
0x186: {  	v0 =	vld.idx.msk [tilespmem:v1+s3+$0x0], $0xffff  }
0x187: {  	s23 =	sadd.s32 $0x100, s23;
	v1 =	vld.idx.msk [tilespmem:v2+s3+$0x0], $0xffff  }
0x188: {  	v2 =	vld.idx.msk [tilespmem:v4+s3+$0x0], $0xffff;
	[tilespmem:s23+$0x0] =	vst v6  }
0x189: {  	s25 =	sadd.s32 $0x80, s25;
	v4 =	vld.idx.msk [tilespmem:v7+s3+$0x0], $0xffff;
	[tilespmem:s23+$0xFFFFFFA0] =	vst v8  }
0x18a: {  	[tilespmem:s23+$0xFFFFFFB0] =	vst v5  }
0x18b: {  	[tilespmem:s23+$0xFFFFFFC0] =	vst v3  }
0x18c: {  	[tilespmem:s23+$0xFFFFFFD0] =	vst v0  }
0x18d: {  	[tilespmem:s23+$0xFFFFFFE0] =	vst v1  }
0x18e: {  	s24 =	simm.s32 $0x1C780;
	[tilespmem:s23+$0xFFFFFFF0] =	vst v2  }
0x18f: {  	s26 =	sadd.s32 $0x0, s13;
	s25 =	simm.s32 $0x1C880;
	[tilespmem:s23+$0xFFFFFF90] =	vst v4;
	s23 =	simm.s32 $0x80  }
.LBB2_32:
0x190: {  	[hbm4b:s26+s3] =	stream.linear.scatter [tilespmem:s24], [sflag:$0x3], $0x80, $0x38;
	[tilespmem:$0x1E700] =	vst v63  }
0x191: {  	s26 =	smov.u32 s23;
	s24 =	smov.u32 s25;
	p0 =	sne.s32 s23, $0xF80  }
.Ltmp15:
0x192: {  	s23 =	sadd.s32 $0x80, s23;
	(pc) =	sbr.rel @p0 .LBB2_32-.Ltmp15, $2  }
0x193: {  	_ =	sdelay $0x2  }
0x194: {  	s25 =	sadd.s32 $0x100, s25;
	s26 =	sadd.s32 s26, s13  }
0x195: {  	[hbm4b:s26+s3] =	stream.linear.scatter [tilespmem:s24], [sflag:$0x3], $0x80, $0x38;
	[tilespmem:$0x1E700] =	vst v63  }
0x196: {  	s22 =	sadd.s32 $0x1, s22  }
0x197: {  	_ =	swait.ge [sflag:s20], $0x1000;
	p0 =	sne.s32 s22, s14  }
.Ltmp16:
0x198: {  	[sflag:s20] =	ssyncset.done $0x0;
	(pc) =	sbr.rel @p0 .LBB2_1-.Ltmp16, $4  }
0x199: {  	[sflag:s20] =	ssyncadd.s32 $0xFFFFF000  }
0x19a: {  	_ =	swait.ge [sflag:s21], $0x1000  }
0x19b: {  	[sflag:s21] =	ssyncset.done $0x0  }
0x19c: {  	[sflag:s21] =	ssyncadd.s32 $0xFFFFF000  }
0x19d: {  	_ =	sfence.sel $0x180000  }
0x19e: {  	[bflag:$0x0] =	sbarrier.arrive $0xFFFF  }
0x19f: {  	p0 =	sne.s32 s2, $0x0;
	_ =	strace $0x90000047  }
0x1a0: {  	s0 =	sadd.s32 @!p0 $0x100000, s0;
	[bflag:$0x2] =	sbarrier.arrive $0xFFFF  }
0x1a1: {  	[sflag:s0] =	ssyncadd.tile.s32 @!p0 $0x1;
	_ =	shalt  }
.Lfunc_end2:
_tile_overlayer_lowered:
.L_overlay_start_2:
0x1a2: {  	(tag) =	ssettag $0x2  }
0x1a3: {  	s0 =	rddreg [dreg:$0x0];
	s2 =	stileid.u32  }
0x1a4: {  	s1 =	rddreg [dreg:$0x1];
	p0 =	sne.s32 s2, $0x0  }
0x1a5: {  	s3 =	rddreg [dreg:$0x2];
	[bflag:$0x3] =	sbarrier.arrive $0xFFFF;
	s2 =	simm.s32 @!p0 $0x1C04  }
0x1a6: {  	[timem:s3], [sflag:s2] =	dma.local @!p0 [hbm:s0], s1  }
0x1a7: {  	s0 =	simm.s32 @!p0 $0x4  }
0x1a8: {  	_ =	swait.ge @!p0 [sflag:s0], s1  }
0x1a9: {  	s1 =	ssub.s32 @!p0 $0x0, s1;
	[sflag:s0] =	ssyncset.done @!p0 $0x0  }
0x1aa: {  	[sflag:s0] =	ssyncadd.s32 @!p0 s1  }
0x1ab: {  	[bflag:$0x3] =	sbarrier.arrive $0xFFFF  }
0x1ac: {  	_ =	shalt  }

</sc_bundles>
